<compile_context>
chip_gen: v7x
topology: tpu7x:2x2x1
jax: 0.10.2.dev20260603
libtpu: 0.0.44.dev20260713+nightly
codegen_flags: <defaults>
</compile_context>

<pallas_src>
import functools
import math

import jax
import jax.numpy as jnp
from jax import lax
from jax.experimental import pallas as pl
from jax.experimental.pallas import tpu as pltpu
from jax.experimental.pallas import tpu_sc as plsc

_C = 300
_LOG_BIN_WIDTH = (math.log(300.0) - math.log(20.0)) / _C

_NC, _NS, _L = 2, 16, 16
_NW = _NC * _NS
_PAD = 160
_CP = 304
_WP = 624
_CH = 32
_NBUF = 2


def _prep_body(zi_ref, zj_ref, ri_ref, rj_ref, lp_ref, p_ref, s_ref):
    zi = zi_ref[...]
    mi = jnp.max(zi, axis=-1, keepdims=True)
    ei = jnp.exp(zi - mi)
    lp = zi - (mi + jnp.log(jnp.sum(ei, axis=-1, keepdims=True)))
    lp_ref[...] = jnp.concatenate(
        [lp, jnp.zeros((lp.shape[0], _CP - _C), jnp.float32)], axis=1)
    zj = zj_ref[...]
    mj = jnp.max(zj, axis=-1, keepdims=True)
    ej = jnp.exp(zj - mj)
    p_ref[...] = ej / jnp.sum(ej, axis=-1, keepdims=True)
    shift_logs = jnp.log(rj_ref[...] / ri_ref[...]) / _LOG_BIN_WIDTH
    s_ref[...] = -jnp.round(shift_logs).astype(jnp.int32)


def _prep(z_i, z_j, r_i, r_j):
    B, C = z_i.shape
    R = 256
    return pl.pallas_call(
        _prep_body,
        grid=(B // R,),
        in_specs=[
            pl.BlockSpec((R, C), lambda i: (i, 0)),
            pl.BlockSpec((R, C), lambda i: (i, 0)),
            pl.BlockSpec((R, 1), lambda i: (i, 0)),
            pl.BlockSpec((R, 1), lambda i: (i, 0)),
        ],
        out_specs=[
            pl.BlockSpec((R, _CP), lambda i: (i, 0)),
            pl.BlockSpec((R, C), lambda i: (i, 0)),
            pl.BlockSpec((R, 1), lambda i: (i, 0)),
        ],
        out_shape=[
            jax.ShapeDtypeStruct((B, _CP), jnp.float32),
            jax.ShapeDtypeStruct((B, C), jnp.float32),
            jax.ShapeDtypeStruct((B, 1), jnp.int32),
        ],
    )(z_i, z_j, r_i, r_j)


def _sc_body(lp_hbm, p_hbm, s_hbm, out_hbm,
             lp0, lp1, p0, p1, s0, s1, acc_v, sem0, sem1):
    wid = lax.axis_index("c") * _NS + lax.axis_index("s")
    rows_per_w = lp_hbm.shape[0] // _NW
    n_chunks = rows_per_w // _CH
    groups = _CH // _L
    lanes = lax.iota(jnp.int32, _L)
    row0 = wid * rows_per_w
    lp_bufs, p_bufs, s_bufs, sems = (lp0, lp1), (p0, p1), (s0, s1), (sem0, sem1)
    zf = jnp.zeros((_L,), jnp.float32)

    def zero_row(r, _):
        rv = jnp.full((_L,), r, jnp.int32)
        for b in range(_NBUF):
            for j in range(10):
                plsc.store_scatter(lp_bufs[b], [rv, j * 16 + lanes], zf)
            for j in range(10):
                plsc.store_scatter(lp_bufs[b], [rv, 464 + j * 16 + lanes], zf)
        return 0
    lax.fori_loop(0, _CH, zero_row, 0)

    def start_chunk(ch, b):
        base = row0 + ch * _CH
        pltpu.make_async_copy(
            lp_hbm.at[pl.ds(base, _CH), :],
            lp_bufs[b].at[:, pl.ds(_PAD, _CP)], sems[b]).start()
        pltpu.make_async_copy(
            p_hbm.at[pl.ds(base, _CH), :], p_bufs[b], sems[b]).start()
        pltpu.make_async_copy(
            s_hbm.at[pl.ds(base, _CH)], s_bufs[b], sems[b]).start()

    def wait_chunk(ch, b):
        base = row0 + ch * _CH
        pltpu.make_async_copy(
            lp_hbm.at[pl.ds(base, _CH), :],
            lp_bufs[b].at[:, pl.ds(_PAD, _CP)], sems[b]).wait()
        pltpu.make_async_copy(
            p_hbm.at[pl.ds(base, _CH), :], p_bufs[b], sems[b]).wait()
        pltpu.make_async_copy(
            s_hbm.at[pl.ds(base, _CH)], s_bufs[b], sems[b]).wait()

    start_chunk(0, 0)

    def outer(k, total):
        for b in range(_NBUF):
            ch = _NBUF * k + b
            @pl.when(ch + 1 < n_chunks)
            def _():
                start_chunk(ch + 1, (b + 1) % _NBUF)
            wait_chunk(ch, b)
            for g in range(groups):
                rows = g * _L + lanes
                svec = s_bufs[b][pl.ds(g * _L, _L)]
                colbase = svec + _PAD

                def m_body(m, acc):
                    mv = jnp.full((_L,), m, jnp.int32)
                    vlp = plsc.load_gather(lp_bufs[b], [rows, colbase + mv])
                    vp = plsc.load_gather(p_bufs[b], [rows, mv])
                    return acc + vp * vlp

                total = total + lax.fori_loop(
                    0, _C, m_body, jnp.zeros((_L,), jnp.float32), unroll=6)
        return total

    total = lax.fori_loop(0, n_chunks // _NBUF, outer,
                          jnp.zeros((_L,), jnp.float32))
    acc_v[...] = total
    pltpu.sync_copy(acc_v, out_hbm.at[wid])


def _sc_shifted_dot(lp, p, s):
    mesh = plsc.VectorSubcoreMesh(core_axis_name="c", subcore_axis_name="s")
    fn = functools.partial(
        pl.kernel,
        out_type=jax.ShapeDtypeStruct((_NW, _L), jnp.float32),
        mesh=mesh,
        scratch_types=[
            pltpu.VMEM((_CH, _WP), jnp.float32),
            pltpu.VMEM((_CH, _WP), jnp.float32),
            pltpu.VMEM((_CH, _C), jnp.float32),
            pltpu.VMEM((_CH, _C), jnp.float32),
            pltpu.VMEM((_CH,), jnp.int32),
            pltpu.VMEM((_CH,), jnp.int32),
            pltpu.VMEM((_L,), jnp.float32),
            pltpu.SemaphoreType.DMA,
            pltpu.SemaphoreType.DMA,
        ],
        compiler_params=pltpu.CompilerParams(
            needs_layout_passes=False, use_tc_tiling_on_sc=False),
    )(_sc_body)
    return fn(lp, p, s)


def kernel(z_i, z_j, ts_rate_i, ts_rate_j):
    B = z_i.shape[0]
    lp, p, s2 = _prep(z_i, z_j, ts_rate_i, ts_rate_j)
    parts = _sc_shifted_dot(lp, p, s2.reshape(-1))
    return -jnp.sum(parts) / B

# --- scband reference (transcript-rebuilt; emitter-appended) ---
"""Pipeline reference for scband-shift-invariant-cross-entropy-2963527434282 (READ-ONLY COPY).

The authoritative reference and input builder live on the scoring server;
editing this copy changes nothing except your own understanding.
"""

import jax, jax.numpy as jnp
import numpy as np
import math

NUM_CLASSES = 300
TEMPO_MIN = 20.0
TEMPO_MAX = 300.0
LOG_BIN_WIDTH = (math.log(TEMPO_MAX) - math.log(TEMPO_MIN)) / NUM_CLASSES


def setup_inputs(seed: int = 0) -> dict:
    key = jax.random.key(seed)
    k1, k2, k3, k4 = jax.random.split(key, 4)
    B, C = 16384, NUM_CLASSES
    z_i = jax.random.normal(k1, (B, C), dtype=jnp.float32)
    z_j = jax.random.normal(k2, (B, C), dtype=jnp.float32)
    # time-stretch rates are positive; sample uniform in [0.5, 2.0) so log-ratios are physical
    ts_rate_i = jax.random.uniform(k3, (B, 1), dtype=jnp.float32, minval=0.5, maxval=2.0)
    ts_rate_j = jax.random.uniform(k4, (B, 1), dtype=jnp.float32, minval=0.5, maxval=2.0)
    return {"z_i": z_i, "z_j": z_j, "ts_rate_i": ts_rate_i, "ts_rate_j": ts_rate_j}


def reference(z_i, z_j, ts_rate_i, ts_rate_j):
    ratio = ts_rate_j / ts_rate_i
    shift_logs = jnp.log(ratio) / LOG_BIN_WIDTH
    shift_bins = jnp.round(shift_logs).astype(jnp.int32).reshape(-1)  # (B,)
    log_prob_i = jax.nn.log_softmax(z_i, axis=-1)
    prob_j = jax.nn.softmax(z_j, axis=-1)
    shift_to_match_i = -shift_bins  # (B,)

    idx = jnp.arange(NUM_CLASSES)

    def roll_and_mask(p_row, s):
        rolled = jnp.roll(p_row, s)
        # if s > 0: zero out [0, s); if s < 0: zero out [C + s, C)
        mask = jnp.where(s > 0, idx >= s, jnp.where(s < 0, idx < NUM_CLASSES + s, jnp.ones_like(idx, dtype=bool)))
        return rolled * mask.astype(p_row.dtype)

    shifted_prob_j = jax.vmap(roll_and_mask)(prob_j, shift_to_match_i)
    loss = -jnp.sum(shifted_prob_j * log_prob_i, axis=-1).mean()
    return loss

if __name__ == "__main__":
    import jax
    _d = setup_inputs()
    print(jax.jit(kernel)(*tuple(_d.values())))

</pallas_src>

<mosaic_0001>
#map = affine_map<(d0, d1) -> (0, 0)>
#map1 = affine_map<(d0, d1) -> (0)>
module attributes {stable_mosaic.version = 14 : i64} {
  func.func @_sc_body(%arg0: i32, %arg1: i32, %arg2: memref<16384x304xf32, #tpu.memory_space<hbm>>, %arg3: memref<16384x300xf32, #tpu.memory_space<hbm>>, %arg4: memref<16384xi32, #tpu.memory_space<hbm>>, %arg5: memref<32x16xf32, #tpu.memory_space<hbm>>, %arg6: memref<32x624xf32, #tpu.memory_space<vmem>>, %arg7: memref<32x624xf32, #tpu.memory_space<vmem>>, %arg8: memref<32x300xf32, #tpu.memory_space<vmem>>, %arg9: memref<32x300xf32, #tpu.memory_space<vmem>>, %arg10: memref<32xi32, #tpu.memory_space<vmem>>, %arg11: memref<32xi32, #tpu.memory_space<vmem>>, %arg12: memref<16xf32, #tpu.memory_space<vmem>>, %arg13: memref<!tpu.dma_semaphore, #tpu.memory_space<semaphore_mem>>, %arg14: memref<!tpu.dma_semaphore, #tpu.memory_space<semaphore_mem>>) attributes {dimension_semantics = [#tpu.dimension_semantics<core_parallel>, #tpu.dimension_semantics<subcore_parallel>], iteration_bounds = array<i64: 2, 16>, scalar_prefetch = 0 : i64, scratch_operands = 9 : i64, tpu.core_type = #tpu.core_type<sc_vector_subcore>, window_params = [{transform_indices = #map}, {transform_indices = #map}, {transform_indices = #map1}, {transform_indices = #map}]} {
    %mul3A = arith.constant 16 : i32
    %mul3A_0 = arith.muli %arg0, %mul3A : i32
    %add3A = arith.addi %mul3A_0, %arg1 : i32
    %iota3A = tpu.iota {dimensions = array<i32: 0>} : vector<16xi32>
    %mul3A_1 = arith.constant 512 : i32
    %mul3A_2 = arith.muli %add3A, %mul3A_1 : i32
    %broadcast_in_dim3A = arith.constant 0.000000e+00 : f32
    %broadcast_in_dim3A_3 = vector.broadcast %broadcast_in_dim3A : f32 to vector<16xf32>
    %scan3A = arith.constant 0 : i32
    %scan3A_4 = arith.constant 0 : i32
    %scan3A_5 = arith.constant 32 : i32
    %scan3A_6 = arith.addi %scan3A_4, %scan3A_5 : i32
    %scan3A_7 = arith.constant 1 : i32
    %scan3A_8 = scf.for %scan3A_36 = %scan3A_4 to %scan3A_6 step %scan3A_7 iter_args(%scan3A_37 = %scan3A) -> (i32)  : i32 {
      %broadcast_in_dim3A_38 = vector.broadcast %scan3A_36 : i32 to vector<16xi32>
      %add3A_39 = arith.constant 0 : i32
      %add3A_40 = vector.broadcast %add3A_39 : i32 to vector<16xi32>
      %add3A_41 = arith.addi %add3A_40, %iota3A : vector<16xi32>
      tpu.vector_store_idx %arg6[%broadcast_in_dim3A_38, %add3A_41], %broadcast_in_dim3A_3 : memref<32x624xf32, #tpu.memory_space<vmem>>[vector<16xi32>, vector<16xi32>], vector<16xf32>,
      %add3A_42 = arith.constant 16 : i32
      %add3A_43 = vector.broadcast %add3A_42 : i32 to vector<16xi32>
      %add3A_44 = arith.addi %add3A_43, %iota3A : vector<16xi32>
      tpu.vector_store_idx %arg6[%broadcast_in_dim3A_38, %add3A_44], %broadcast_in_dim3A_3 : memref<32x624xf32, #tpu.memory_space<vmem>>[vector<16xi32>, vector<16xi32>], vector<16xf32>,
      %add3A_45 = arith.constant 32 : i32
      %add3A_46 = vector.broadcast %add3A_45 : i32 to vector<16xi32>
      %add3A_47 = arith.addi %add3A_46, %iota3A : vector<16xi32>
      tpu.vector_store_idx %arg6[%broadcast_in_dim3A_38, %add3A_47], %broadcast_in_dim3A_3 : memref<32x624xf32, #tpu.memory_space<vmem>>[vector<16xi32>, vector<16xi32>], vector<16xf32>,
      %add3A_48 = arith.constant 48 : i32
      %add3A_49 = vector.broadcast %add3A_48 : i32 to vector<16xi32>
      %add3A_50 = arith.addi %add3A_49, %iota3A : vector<16xi32>
      tpu.vector_store_idx %arg6[%broadcast_in_dim3A_38, %add3A_50], %broadcast_in_dim3A_3 : memref<32x624xf32, #tpu.memory_space<vmem>>[vector<16xi32>, vector<16xi32>], vector<16xf32>,
      %add3A_51 = arith.constant 64 : i32
      %add3A_52 = vector.broadcast %add3A_51 : i32 to vector<16xi32>
      %add3A_53 = arith.addi %add3A_52, %iota3A : vector<16xi32>
      tpu.vector_store_idx %arg6[%broadcast_in_dim3A_38, %add3A_53], %broadcast_in_dim3A_3 : memref<32x624xf32, #tpu.memory_space<vmem>>[vector<16xi32>, vector<16xi32>], vector<16xf32>,
      %add3A_54 = arith.constant 80 : i32
      %add3A_55 = vector.broadcast %add3A_54 : i32 to vector<16xi32>
      %add3A_56 = arith.addi %add3A_55, %iota3A : vector<16xi32>
      tpu.vector_store_idx %arg6[%broadcast_in_dim3A_38, %add3A_56], %broadcast_in_dim3A_3 : memref<32x624xf32, #tpu.memory_space<vmem>>[vector<16xi32>, vector<16xi32>], vector<16xf32>,
      %add3A_57 = arith.constant 96 : i32
      %add3A_58 = vector.broadcast %add3A_57 : i32 to vector<16xi32>
      %add3A_59 = arith.addi %add3A_58, %iota3A : vector<16xi32>
      tpu.vector_store_idx %arg6[%broadcast_in_dim3A_38, %add3A_59], %broadcast_in_dim3A_3 : memref<32x624xf32, #tpu.memory_space<vmem>>[vector<16xi32>, vector<16xi32>], vector<16xf32>,
      %add3A_60 = arith.constant 112 : i32
      %add3A_61 = vector.broadcast %add3A_60 : i32 to vector<16xi32>
      %add3A_62 = arith.addi %add3A_61, %iota3A : vector<16xi32>
      tpu.vector_store_idx %arg6[%broadcast_in_dim3A_38, %add3A_62], %broadcast_in_dim3A_3 : memref<32x624xf32, #tpu.memory_space<vmem>>[vector<16xi32>, vector<16xi32>], vector<16xf32>,
      %add3A_63 = arith.constant 128 : i32
      %add3A_64 = vector.broadcast %add3A_63 : i32 to vector<16xi32>
      %add3A_65 = arith.addi %add3A_64, %iota3A : vector<16xi32>
      tpu.vector_store_idx %arg6[%broadcast_in_dim3A_38, %add3A_65], %broadcast_in_dim3A_3 : memref<32x624xf32, #tpu.memory_space<vmem>>[vector<16xi32>, vector<16xi32>], vector<16xf32>,
      %add3A_66 = arith.constant 144 : i32
      %add3A_67 = vector.broadcast %add3A_66 : i32 to vector<16xi32>
      %add3A_68 = arith.addi %add3A_67, %iota3A : vector<16xi32>
      tpu.vector_store_idx %arg6[%broadcast_in_dim3A_38, %add3A_68], %broadcast_in_dim3A_3 : memref<32x624xf32, #tpu.memory_space<vmem>>[vector<16xi32>, vector<16xi32>], vector<16xf32>,
      %add3A_69 = arith.constant 464 : i32
      %add3A_70 = vector.broadcast %add3A_69 : i32 to vector<16xi32>
      %add3A_71 = arith.addi %add3A_70, %iota3A : vector<16xi32>
      tpu.vector_store_idx %arg6[%broadcast_in_dim3A_38, %add3A_71], %broadcast_in_dim3A_3 : memref<32x624xf32, #tpu.memory_space<vmem>>[vector<16xi32>, vector<16xi32>], vector<16xf32>,
      %add3A_72 = arith.constant 480 : i32
      %add3A_73 = vector.broadcast %add3A_72 : i32 to vector<16xi32>
      %add3A_74 = arith.addi %add3A_73, %iota3A : vector<16xi32>
      tpu.vector_store_idx %arg6[%broadcast_in_dim3A_38, %add3A_74], %broadcast_in_dim3A_3 : memref<32x624xf32, #tpu.memory_space<vmem>>[vector<16xi32>, vector<16xi32>], vector<16xf32>,
      %add3A_75 = arith.constant 496 : i32
      %add3A_76 = vector.broadcast %add3A_75 : i32 to vector<16xi32>
      %add3A_77 = arith.addi %add3A_76, %iota3A : vector<16xi32>
      tpu.vector_store_idx %arg6[%broadcast_in_dim3A_38, %add3A_77], %broadcast_in_dim3A_3 : memref<32x624xf32, #tpu.memory_space<vmem>>[vector<16xi32>, vector<16xi32>], vector<16xf32>,
      %add3A_78 = arith.constant 512 : i32
      %add3A_79 = vector.broadcast %add3A_78 : i32 to vector<16xi32>
      %add3A_80 = arith.addi %add3A_79, %iota3A : vector<16xi32>
      tpu.vector_store_idx %arg6[%broadcast_in_dim3A_38, %add3A_80], %broadcast_in_dim3A_3 : memref<32x624xf32, #tpu.memory_space<vmem>>[vector<16xi32>, vector<16xi32>], vector<16xf32>,
      %add3A_81 = arith.constant 528 : i32
      %add3A_82 = vector.broadcast %add3A_81 : i32 to vector<16xi32>
      %add3A_83 = arith.addi %add3A_82, %iota3A : vector<16xi32>
      tpu.vector_store_idx %arg6[%broadcast_in_dim3A_38, %add3A_83], %broadcast_in_dim3A_3 : memref<32x624xf32, #tpu.memory_space<vmem>>[vector<16xi32>, vector<16xi32>], vector<16xf32>,
      %add3A_84 = arith.constant 544 : i32
      %add3A_85 = vector.broadcast %add3A_84 : i32 to vector<16xi32>
      %add3A_86 = arith.addi %add3A_85, %iota3A : vector<16xi32>
      tpu.vector_store_idx %arg6[%broadcast_in_dim3A_38, %add3A_86], %broadcast_in_dim3A_3 : memref<32x624xf32, #tpu.memory_space<vmem>>[vector<16xi32>, vector<16xi32>], vector<16xf32>,
      %add3A_87 = arith.constant 560 : i32
      %add3A_88 = vector.broadcast %add3A_87 : i32 to vector<16xi32>
      %add3A_89 = arith.addi %add3A_88, %iota3A : vector<16xi32>
      tpu.vector_store_idx %arg6[%broadcast_in_dim3A_38, %add3A_89], %broadcast_in_dim3A_3 : memref<32x624xf32, #tpu.memory_space<vmem>>[vector<16xi32>, vector<16xi32>], vector<16xf32>,
      %add3A_90 = arith.constant 576 : i32
      %add3A_91 = vector.broadcast %add3A_90 : i32 to vector<16xi32>
      %add3A_92 = arith.addi %add3A_91, %iota3A : vector<16xi32>
      tpu.vector_store_idx %arg6[%broadcast_in_dim3A_38, %add3A_92], %broadcast_in_dim3A_3 : memref<32x624xf32, #tpu.memory_space<vmem>>[vector<16xi32>, vector<16xi32>], vector<16xf32>,
      %add3A_93 = arith.constant 592 : i32
      %add3A_94 = vector.broadcast %add3A_93 : i32 to vector<16xi32>
      %add3A_95 = arith.addi %add3A_94, %iota3A : vector<16xi32>
      tpu.vector_store_idx %arg6[%broadcast_in_dim3A_38, %add3A_95], %broadcast_in_dim3A_3 : memref<32x624xf32, #tpu.memory_space<vmem>>[vector<16xi32>, vector<16xi32>], vector<16xf32>,
      %add3A_96 = arith.constant 608 : i32
      %add3A_97 = vector.broadcast %add3A_96 : i32 to vector<16xi32>
      %add3A_98 = arith.addi %add3A_97, %iota3A : vector<16xi32>
      tpu.vector_store_idx %arg6[%broadcast_in_dim3A_38, %add3A_98], %broadcast_in_dim3A_3 : memref<32x624xf32, #tpu.memory_space<vmem>>[vector<16xi32>, vector<16xi32>], vector<16xf32>,
      %add3A_99 = arith.constant 0 : i32
      %add3A_100 = vector.broadcast %add3A_99 : i32 to vector<16xi32>
      %add3A_101 = arith.addi %add3A_100, %iota3A : vector<16xi32>
      tpu.vector_store_idx %arg7[%broadcast_in_dim3A_38, %add3A_101], %broadcast_in_dim3A_3 : memref<32x624xf32, #tpu.memory_space<vmem>>[vector<16xi32>, vector<16xi32>], vector<16xf32>,
      %add3A_102 = arith.constant 16 : i32
      %add3A_103 = vector.broadcast %add3A_102 : i32 to vector<16xi32>
      %add3A_104 = arith.addi %add3A_103, %iota3A : vector<16xi32>
      tpu.vector_store_idx %arg7[%broadcast_in_dim3A_38, %add3A_104], %broadcast_in_dim3A_3 : memref<32x624xf32, #tpu.memory_space<vmem>>[vector<16xi32>, vector<16xi32>], vector<16xf32>,
      %add3A_105 = arith.constant 32 : i32
      %add3A_106 = vector.broadcast %add3A_105 : i32 to vector<16xi32>
      %add3A_107 = arith.addi %add3A_106, %iota3A : vector<16xi32>
      tpu.vector_store_idx %arg7[%broadcast_in_dim3A_38, %add3A_107], %broadcast_in_dim3A_3 : memref<32x624xf32, #tpu.memory_space<vmem>>[vector<16xi32>, vector<16xi32>], vector<16xf32>,
      %add3A_108 = arith.constant 48 : i32
      %add3A_109 = vector.broadcast %add3A_108 : i32 to vector<16xi32>
      %add3A_110 = arith.addi %add3A_109, %iota3A : vector<16xi32>
      tpu.vector_store_idx %arg7[%broadcast_in_dim3A_38, %add3A_110], %broadcast_in_dim3A_3 : memref<32x624xf32, #tpu.memory_space<vmem>>[vector<16xi32>, vector<16xi32>], vector<16xf32>,
      %add3A_111 = arith.constant 64 : i32
      %add3A_112 = vector.broadcast %add3A_111 : i32 to vector<16xi32>
      %add3A_113 = arith.addi %add3A_112, %iota3A : vector<16xi32>
      tpu.vector_store_idx %arg7[%broadcast_in_dim3A_38, %add3A_113], %broadcast_in_dim3A_3 : memref<32x624xf32, #tpu.memory_space<vmem>>[vector<16xi32>, vector<16xi32>], vector<16xf32>,
      %add3A_114 = arith.constant 80 : i32
      %add3A_115 = vector.broadcast %add3A_114 : i32 to vector<16xi32>
      %add3A_116 = arith.addi %add3A_115, %iota3A : vector<16xi32>
      tpu.vector_store_idx %arg7[%broadcast_in_dim3A_38, %add3A_116], %broadcast_in_dim3A_3 : memref<32x624xf32, #tpu.memory_space<vmem>>[vector<16xi32>, vector<16xi32>], vector<16xf32>,
      %add3A_117 = arith.constant 96 : i32
      %add3A_118 = vector.broadcast %add3A_117 : i32 to vector<16xi32>
      %add3A_119 = arith.addi %add3A_118, %iota3A : vector<16xi32>
      tpu.vector_store_idx %arg7[%broadcast_in_dim3A_38, %add3A_119], %broadcast_in_dim3A_3 : memref<32x624xf32, #tpu.memory_space<vmem>>[vector<16xi32>, vector<16xi32>], vector<16xf32>,
      %add3A_120 = arith.constant 112 : i32
      %add3A_121 = vector.broadcast %add3A_120 : i32 to vector<16xi32>
      %add3A_122 = arith.addi %add3A_121, %iota3A : vector<16xi32>
      tpu.vector_store_idx %arg7[%broadcast_in_dim3A_38, %add3A_122], %broadcast_in_dim3A_3 : memref<32x624xf32, #tpu.memory_space<vmem>>[vector<16xi32>, vector<16xi32>], vector<16xf32>,
      %add3A_123 = arith.constant 128 : i32
      %add3A_124 = vector.broadcast %add3A_123 : i32 to vector<16xi32>
      %add3A_125 = arith.addi %add3A_124, %iota3A : vector<16xi32>
      tpu.vector_store_idx %arg7[%broadcast_in_dim3A_38, %add3A_125], %broadcast_in_dim3A_3 : memref<32x624xf32, #tpu.memory_space<vmem>>[vector<16xi32>, vector<16xi32>], vector<16xf32>,
      %add3A_126 = arith.constant 144 : i32
      %add3A_127 = vector.broadcast %add3A_126 : i32 to vector<16xi32>
      %add3A_128 = arith.addi %add3A_127, %iota3A : vector<16xi32>
      tpu.vector_store_idx %arg7[%broadcast_in_dim3A_38, %add3A_128], %broadcast_in_dim3A_3 : memref<32x624xf32, #tpu.memory_space<vmem>>[vector<16xi32>, vector<16xi32>], vector<16xf32>,
      %add3A_129 = arith.constant 464 : i32
      %add3A_130 = vector.broadcast %add3A_129 : i32 to vector<16xi32>
      %add3A_131 = arith.addi %add3A_130, %iota3A : vector<16xi32>
      tpu.vector_store_idx %arg7[%broadcast_in_dim3A_38, %add3A_131], %broadcast_in_dim3A_3 : memref<32x624xf32, #tpu.memory_space<vmem>>[vector<16xi32>, vector<16xi32>], vector<16xf32>,
      %add3A_132 = arith.constant 480 : i32
      %add3A_133 = vector.broadcast %add3A_132 : i32 to vector<16xi32>
      %add3A_134 = arith.addi %add3A_133, %iota3A : vector<16xi32>
      tpu.vector_store_idx %arg7[%broadcast_in_dim3A_38, %add3A_134], %broadcast_in_dim3A_3 : memref<32x624xf32, #tpu.memory_space<vmem>>[vector<16xi32>, vector<16xi32>], vector<16xf32>,
      %add3A_135 = arith.constant 496 : i32
      %add3A_136 = vector.broadcast %add3A_135 : i32 to vector<16xi32>
      %add3A_137 = arith.addi %add3A_136, %iota3A : vector<16xi32>
      tpu.vector_store_idx %arg7[%broadcast_in_dim3A_38, %add3A_137], %broadcast_in_dim3A_3 : memref<32x624xf32, #tpu.memory_space<vmem>>[vector<16xi32>, vector<16xi32>], vector<16xf32>,
      %add3A_138 = arith.constant 512 : i32
      %add3A_139 = vector.broadcast %add3A_138 : i32 to vector<16xi32>
      %add3A_140 = arith.addi %add3A_139, %iota3A : vector<16xi32>
      tpu.vector_store_idx %arg7[%broadcast_in_dim3A_38, %add3A_140], %broadcast_in_dim3A_3 : memref<32x624xf32, #tpu.memory_space<vmem>>[vector<16xi32>, vector<16xi32>], vector<16xf32>,
      %add3A_141 = arith.constant 528 : i32
      %add3A_142 = vector.broadcast %add3A_141 : i32 to vector<16xi32>
      %add3A_143 = arith.addi %add3A_142, %iota3A : vector<16xi32>
      tpu.vector_store_idx %arg7[%broadcast_in_dim3A_38, %add3A_143], %broadcast_in_dim3A_3 : memref<32x624xf32, #tpu.memory_space<vmem>>[vector<16xi32>, vector<16xi32>], vector<16xf32>,
      %add3A_144 = arith.constant 544 : i32
      %add3A_145 = vector.broadcast %add3A_144 : i32 to vector<16xi32>
      %add3A_146 = arith.addi %add3A_145, %iota3A : vector<16xi32>
      tpu.vector_store_idx %arg7[%broadcast_in_dim3A_38, %add3A_146], %broadcast_in_dim3A_3 : memref<32x624xf32, #tpu.memory_space<vmem>>[vector<16xi32>, vector<16xi32>], vector<16xf32>,
      %add3A_147 = arith.constant 560 : i32
      %add3A_148 = vector.broadcast %add3A_147 : i32 to vector<16xi32>
      %add3A_149 = arith.addi %add3A_148, %iota3A : vector<16xi32>
      tpu.vector_store_idx %arg7[%broadcast_in_dim3A_38, %add3A_149], %broadcast_in_dim3A_3 : memref<32x624xf32, #tpu.memory_space<vmem>>[vector<16xi32>, vector<16xi32>], vector<16xf32>,
      %add3A_150 = arith.constant 576 : i32
      %add3A_151 = vector.broadcast %add3A_150 : i32 to vector<16xi32>
      %add3A_152 = arith.addi %add3A_151, %iota3A : vector<16xi32>
      tpu.vector_store_idx %arg7[%broadcast_in_dim3A_38, %add3A_152], %broadcast_in_dim3A_3 : memref<32x624xf32, #tpu.memory_space<vmem>>[vector<16xi32>, vector<16xi32>], vector<16xf32>,
      %add3A_153 = arith.constant 592 : i32
      %add3A_154 = vector.broadcast %add3A_153 : i32 to vector<16xi32>
      %add3A_155 = arith.addi %add3A_154, %iota3A : vector<16xi32>
      tpu.vector_store_idx %arg7[%broadcast_in_dim3A_38, %add3A_155], %broadcast_in_dim3A_3 : memref<32x624xf32, #tpu.memory_space<vmem>>[vector<16xi32>, vector<16xi32>], vector<16xf32>,
      %add3A_156 = arith.constant 608 : i32
      %add3A_157 = vector.broadcast %add3A_156 : i32 to vector<16xi32>
      %add3A_158 = arith.addi %add3A_157, %iota3A : vector<16xi32>
      tpu.vector_store_idx %arg7[%broadcast_in_dim3A_38, %add3A_158], %broadcast_in_dim3A_3 : memref<32x624xf32, #tpu.memory_space<vmem>>[vector<16xi32>, vector<16xi32>], vector<16xf32>,
      %scan3A_159 = arith.constant 0 : i32
      scf.yield %scan3A_159 : i32
    }
    %scan3A_9 = arith.constant 32 : i32
    %add3A_10 = arith.constant 0 : i32
    %add3A_11 = arith.addi %mul3A_2, %add3A_10 : i32
    %dma_start3A = arith.constant 0 : i32
    %dma_start3A_12 = arith.constant 160 : i32
    %dma_start3A_13 = tpu.memref_slice %arg6[%dma_start3A, %dma_start3A_12] : memref<32x624xf32, #tpu.memory_space<vmem>> -> memref<32x304xf32, #tpu.memory_space<vmem>>
    %dma_start3A_14 = arith.constant 0 : i32
    %dma_start3A_15 = tpu.memref_slice %arg2[%add3A_11, %dma_start3A_14] : memref<16384x304xf32, #tpu.memory_space<hbm>> -> memref<32x304xf32, #tpu.memory_space<hbm>>
    %dma_start3A_16 = arith.constant 0 : i32
    %dma_start3A_17 = arith.constant 160 : i32
    %dma_start3A_18 = tpu.memref_slice %arg6[%dma_start3A_16, %dma_start3A_17] : memref<32x624xf32, #tpu.memory_space<vmem>> -> memref<32x304xf32, #tpu.memory_space<vmem>>
    %dma_start3A_19 = arith.constant 0 : i32
    %dma_start3A_20 = tpu.memref_slice %arg2[%add3A_11, %dma_start3A_19] : memref<16384x304xf32, #tpu.memory_space<hbm>> -> memref<32x304xf32, #tpu.memory_space<hbm>>
    tpu.enqueue_dma source(%dma_start3A_20 : memref<32x304xf32, #tpu.memory_space<hbm>>) target(%dma_start3A_18 : memref<32x304xf32, #tpu.memory_space<vmem>>) target_semaphore(%arg13 : memref<!tpu.dma_semaphore, #tpu.memory_space<semaphore_mem>>)
    %dma_start3A_21 = arith.constant 0 : i32
    %dma_start3A_22 = tpu.memref_slice %arg3[%add3A_11, %dma_start3A_21] : memref<16384x300xf32, #tpu.memory_space<hbm>> -> memref<32x300xf32, #tpu.memory_space<hbm>>
    %dma_start3A_23 = arith.constant 0 : i32
    %dma_start3A_24 = tpu.memref_slice %arg3[%add3A_11, %dma_start3A_23] : memref<16384x300xf32, #tpu.memory_space<hbm>> -> memref<32x300xf32, #tpu.memory_space<hbm>>
    tpu.enqueue_dma source(%dma_start3A_24 : memref<32x300xf32, #tpu.memory_space<hbm>>) target(%arg8 : memref<32x300xf32, #tpu.memory_space<vmem>>) target_semaphore(%arg13 : memref<!tpu.dma_semaphore, #tpu.memory_space<semaphore_mem>>)
    %dma_start3A_25 = tpu.memref_slice %arg4[%add3A_11] : memref<16384xi32, #tpu.memory_space<hbm>> -> memref<32xi32, #tpu.memory_space<hbm>>
    %dma_start3A_26 = tpu.memref_slice %arg4[%add3A_11] : memref<16384xi32, #tpu.memory_space<hbm>> -> memref<32xi32, #tpu.memory_space<hbm>>
    tpu.enqueue_dma source(%dma_start3A_26 : memref<32xi32, #tpu.memory_space<hbm>>) target(%arg10 : memref<32xi32, #tpu.memory_space<vmem>>) target_semaphore(%arg13 : memref<!tpu.dma_semaphore, #tpu.memory_space<semaphore_mem>>)
    %broadcast_in_dim3A_27 = arith.constant 0.000000e+00 : f32
    %broadcast_in_dim3A_28 = vector.broadcast %broadcast_in_dim3A_27 : f32 to vector<16xf32>
    %scan3A_29 = arith.constant 0 : i32
    %scan3A_30 = arith.constant 8 : i32
    %scan3A_31 = arith.addi %scan3A_29, %scan3A_30 : i32
    %scan3A_32 = arith.constant 1 : i32
    %scan3A_33 = scf.for %scan3A_36 = %scan3A_29 to %scan3A_31 step %scan3A_32 iter_args(%scan3A_37 = %broadcast_in_dim3A_28) -> (vector<16xf32>)  : i32 {
      %mul3A_38 = arith.constant 2 : i32
      %mul3A_39 = arith.muli %mul3A_38, %scan3A_36 : i32
      %add3A_40 = arith.constant 0 : i32
      %add3A_41 = arith.addi %mul3A_39, %add3A_40 : i32
      %add3A_42 = arith.constant 1 : i32
      %add3A_43 = arith.addi %add3A_41, %add3A_42 : i32
      %lt3A = arith.constant 16 : i32
      %lt3A_44 = arith.cmpi slt, %add3A_43, %lt3A : i32
      %convert_element_type3A = arith.extui %lt3A_44 : i1 to i32
      %cond3A = arith.constant 0 : i32
      %cond3A_45 = arith.cmpi ne, %convert_element_type3A, %cond3A : i32
      scf.if %cond3A_45 {
        %add3A_161 = arith.constant 1 : i32
        %add3A_162 = arith.addi %add3A_41, %add3A_161 : i32
        %mul3A_163 = arith.constant 32 : i32
        %mul3A_164 = arith.muli %add3A_162, %mul3A_163 : i32
        %add3A_165 = arith.addi %mul3A_2, %mul3A_164 : i32
        %dma_start3A_166 = arith.constant 0 : i32
        %dma_start3A_167 = arith.constant 160 : i32
        %dma_start3A_168 = tpu.memref_slice %arg7[%dma_start3A_166, %dma_start3A_167] : memref<32x624xf32, #tpu.memory_space<vmem>> -> memref<32x304xf32, #tpu.memory_space<vmem>>
        %dma_start3A_169 = arith.constant 0 : i32
        %dma_start3A_170 = tpu.memref_slice %arg2[%add3A_165, %dma_start3A_169] : memref<16384x304xf32, #tpu.memory_space<hbm>> -> memref<32x304xf32, #tpu.memory_space<hbm>>
        %dma_start3A_171 = arith.constant 0 : i32
        %dma_start3A_172 = arith.constant 160 : i32
        %dma_start3A_173 = tpu.memref_slice %arg7[%dma_start3A_171, %dma_start3A_172] : memref<32x624xf32, #tpu.memory_space<vmem>> -> memref<32x304xf32, #tpu.memory_space<vmem>>
        %dma_start3A_174 = arith.constant 0 : i32
        %dma_start3A_175 = tpu.memref_slice %arg2[%add3A_165, %dma_start3A_174] : memref<16384x304xf32, #tpu.memory_space<hbm>> -> memref<32x304xf32, #tpu.memory_space<hbm>>
        tpu.enqueue_dma source(%dma_start3A_175 : memref<32x304xf32, #tpu.memory_space<hbm>>) target(%dma_start3A_173 : memref<32x304xf32, #tpu.memory_space<vmem>>) target_semaphore(%arg14 : memref<!tpu.dma_semaphore, #tpu.memory_space<semaphore_mem>>)
        %dma_start3A_176 = arith.constant 0 : i32
        %dma_start3A_177 = tpu.memref_slice %arg3[%add3A_165, %dma_start3A_176] : memref<16384x300xf32, #tpu.memory_space<hbm>> -> memref<32x300xf32, #tpu.memory_space<hbm>>
        %dma_start3A_178 = arith.constant 0 : i32
        %dma_start3A_179 = tpu.memref_slice %arg3[%add3A_165, %dma_start3A_178] : memref<16384x300xf32, #tpu.memory_space<hbm>> -> memref<32x300xf32, #tpu.memory_space<hbm>>
        tpu.enqueue_dma source(%dma_start3A_179 : memref<32x300xf32, #tpu.memory_space<hbm>>) target(%arg9 : memref<32x300xf32, #tpu.memory_space<vmem>>) target_semaphore(%arg14 : memref<!tpu.dma_semaphore, #tpu.memory_space<semaphore_mem>>)
        %dma_start3A_180 = tpu.memref_slice %arg4[%add3A_165] : memref<16384xi32, #tpu.memory_space<hbm>> -> memref<32xi32, #tpu.memory_space<hbm>>
        %dma_start3A_181 = tpu.memref_slice %arg4[%add3A_165] : memref<16384xi32, #tpu.memory_space<hbm>> -> memref<32xi32, #tpu.memory_space<hbm>>
        tpu.enqueue_dma source(%dma_start3A_181 : memref<32xi32, #tpu.memory_space<hbm>>) target(%arg11 : memref<32xi32, #tpu.memory_space<vmem>>) target_semaphore(%arg14 : memref<!tpu.dma_semaphore, #tpu.memory_space<semaphore_mem>>)
      } else {
      }
      %mul3A_46 = arith.constant 32 : i32
      %mul3A_47 = arith.muli %add3A_41, %mul3A_46 : i32
      %add3A_48 = arith.addi %mul3A_2, %mul3A_47 : i32
      %dma_wait3A = arith.constant 0 : i32
      %dma_wait3A_49 = arith.constant 160 : i32
      %dma_wait3A_50 = tpu.memref_slice %arg6[%dma_wait3A, %dma_wait3A_49] : memref<32x624xf32, #tpu.memory_space<vmem>> -> memref<32x304xf32, #tpu.memory_space<vmem>>
      %dma_wait3A_51 = arith.constant 0 : i32
      %dma_wait3A_52 = tpu.memref_slice %arg2[%add3A_48, %dma_wait3A_51] : memref<16384x304xf32, #tpu.memory_space<hbm>> -> memref<32x304xf32, #tpu.memory_space<hbm>>
      %dma_wait3A_53 = arith.constant 0 : i32
      %dma_wait3A_54 = arith.constant 160 : i32
      %dma_wait3A_55 = tpu.memref_slice %arg6[%dma_wait3A_53, %dma_wait3A_54] : memref<32x624xf32, #tpu.memory_space<vmem>> -> memref<32x304xf32, #tpu.memory_space<vmem>>
      %dma_wait3A_56 = arith.constant 0 : i32
      %dma_wait3A_57 = tpu.memref_slice %arg2[%add3A_48, %dma_wait3A_56] : memref<16384x304xf32, #tpu.memory_space<hbm>> -> memref<32x304xf32, #tpu.memory_space<hbm>>
      tpu.wait_dma2 semaphore(%arg13 : memref<!tpu.dma_semaphore, #tpu.memory_space<semaphore_mem>>) src(%dma_wait3A_57 : memref<32x304xf32, #tpu.memory_space<hbm>>) dst(%dma_wait3A_55 : memref<32x304xf32, #tpu.memory_space<vmem>>)
      %dma_wait3A_58 = arith.constant 0 : i32
      %dma_wait3A_59 = tpu.memref_slice %arg3[%add3A_48, %dma_wait3A_58] : memref<16384x300xf32, #tpu.memory_space<hbm>> -> memref<32x300xf32, #tpu.memory_space<hbm>>
      %dma_wait3A_60 = arith.constant 0 : i32
      %dma_wait3A_61 = tpu.memref_slice %arg3[%add3A_48, %dma_wait3A_60] : memref<16384x300xf32, #tpu.memory_space<hbm>> -> memref<32x300xf32, #tpu.memory_space<hbm>>
      tpu.wait_dma2 semaphore(%arg13 : memref<!tpu.dma_semaphore, #tpu.memory_space<semaphore_mem>>) src(%dma_wait3A_61 : memref<32x300xf32, #tpu.memory_space<hbm>>) dst(%arg8 : memref<32x300xf32, #tpu.memory_space<vmem>>)
      %dma_wait3A_62 = tpu.memref_slice %arg4[%add3A_48] : memref<16384xi32, #tpu.memory_space<hbm>> -> memref<32xi32, #tpu.memory_space<hbm>>
      %dma_wait3A_63 = tpu.memref_slice %arg4[%add3A_48] : memref<16384xi32, #tpu.memory_space<hbm>> -> memref<32xi32, #tpu.memory_space<hbm>>
      tpu.wait_dma2 semaphore(%arg13 : memref<!tpu.dma_semaphore, #tpu.memory_space<semaphore_mem>>) src(%dma_wait3A_63 : memref<32xi32, #tpu.memory_space<hbm>>) dst(%arg10 : memref<32xi32, #tpu.memory_space<vmem>>)
      %add3A_64 = arith.constant 0 : i32
      %add3A_65 = vector.broadcast %add3A_64 : i32 to vector<16xi32>
      %add3A_66 = arith.addi %add3A_65, %iota3A : vector<16xi32>
      %get3A = arith.constant 0 : index
      %get3A_67 = tpu.vector_load %arg10[%get3A] {strides = array<i32>} : memref<32xi32, #tpu.memory_space<vmem>>, vector<16xi32>,
      %add3A_68 = arith.constant 160 : i32
      %add3A_69 = vector.broadcast %add3A_68 : i32 to vector<16xi32>
      %add3A_70 = arith.addi %get3A_67, %add3A_69 : vector<16xi32>
      %broadcast_in_dim3A_71 = arith.constant 0.000000e+00 : f32
      %broadcast_in_dim3A_72 = vector.broadcast %broadcast_in_dim3A_71 : f32 to vector<16xf32>
      %scan3A_73 = arith.constant 0 : i32
      %scan3A_74 = arith.constant 300 : i32
      %scan3A_75 = arith.addi %scan3A_73, %scan3A_74 : i32
      %scan3A_76 = arith.constant 6 : i32
      %scan3A_77 = scf.for %scan3A_161 = %scan3A_73 to %scan3A_75 step %scan3A_76 iter_args(%scan3A_162 = %broadcast_in_dim3A_72) -> (vector<16xf32>)  : i32 {
        %broadcast_in_dim3A_163 = vector.broadcast %scan3A_161 : i32 to vector<16xi32>
        %add3A_164 = arith.addi %add3A_70, %broadcast_in_dim3A_163 : vector<16xi32>
        %gather3A = tpu.vector_load_idx %arg6[%add3A_66, %add3A_164] : memref<32x624xf32, #tpu.memory_space<vmem>>[vector<16xi32>, vector<16xi32>], vector<16xf32>,
        %gather3A_165 = tpu.vector_load_idx %arg8[%add3A_66, %broadcast_in_dim3A_163] : memref<32x300xf32, #tpu.memory_space<vmem>>[vector<16xi32>, vector<16xi32>], vector<16xf32>,
        %mul3A_166 = arith.mulf %gather3A_165, %gather3A : vector<16xf32>
        %add3A_167 = arith.addf %scan3A_162, %mul3A_166 : vector<16xf32>
        %scan3A_168 = arith.constant 1 : i32
        %scan3A_169 = arith.addi %scan3A_161, %scan3A_168 : i32
        %broadcast_in_dim3A_170 = vector.broadcast %scan3A_169 : i32 to vector<16xi32>
        %add3A_171 = arith.addi %add3A_70, %broadcast_in_dim3A_170 : vector<16xi32>
        %gather3A_172 = tpu.vector_load_idx %arg6[%add3A_66, %add3A_171] : memref<32x624xf32, #tpu.memory_space<vmem>>[vector<16xi32>, vector<16xi32>], vector<16xf32>,
        %gather3A_173 = tpu.vector_load_idx %arg8[%add3A_66, %broadcast_in_dim3A_170] : memref<32x300xf32, #tpu.memory_space<vmem>>[vector<16xi32>, vector<16xi32>], vector<16xf32>,
        %mul3A_174 = arith.mulf %gather3A_173, %gather3A_172 : vector<16xf32>
        %add3A_175 = arith.addf %add3A_167, %mul3A_174 : vector<16xf32>
        %scan3A_176 = arith.constant 2 : i32
        %scan3A_177 = arith.addi %scan3A_161, %scan3A_176 : i32
        %broadcast_in_dim3A_178 = vector.broadcast %scan3A_177 : i32 to vector<16xi32>
        %add3A_179 = arith.addi %add3A_70, %broadcast_in_dim3A_178 : vector<16xi32>
        %gather3A_180 = tpu.vector_load_idx %arg6[%add3A_66, %add3A_179] : memref<32x624xf32, #tpu.memory_space<vmem>>[vector<16xi32>, vector<16xi32>], vector<16xf32>,
        %gather3A_181 = tpu.vector_load_idx %arg8[%add3A_66, %broadcast_in_dim3A_178] : memref<32x300xf32, #tpu.memory_space<vmem>>[vector<16xi32>, vector<16xi32>], vector<16xf32>,
        %mul3A_182 = arith.mulf %gather3A_181, %gather3A_180 : vector<16xf32>
        %add3A_183 = arith.addf %add3A_175, %mul3A_182 : vector<16xf32>
        %scan3A_184 = arith.constant 3 : i32
        %scan3A_185 = arith.addi %scan3A_161, %scan3A_184 : i32
        %broadcast_in_dim3A_186 = vector.broadcast %scan3A_185 : i32 to vector<16xi32>
        %add3A_187 = arith.addi %add3A_70, %broadcast_in_dim3A_186 : vector<16xi32>
        %gather3A_188 = tpu.vector_load_idx %arg6[%add3A_66, %add3A_187] : memref<32x624xf32, #tpu.memory_space<vmem>>[vector<16xi32>, vector<16xi32>], vector<16xf32>,
        %gather3A_189 = tpu.vector_load_idx %arg8[%add3A_66, %broadcast_in_dim3A_186] : memref<32x300xf32, #tpu.memory_space<vmem>>[vector<16xi32>, vector<16xi32>], vector<16xf32>,
        %mul3A_190 = arith.mulf %gather3A_189, %gather3A_188 : vector<16xf32>
        %add3A_191 = arith.addf %add3A_183, %mul3A_190 : vector<16xf32>
        %scan3A_192 = arith.constant 4 : i32
        %scan3A_193 = arith.addi %scan3A_161, %scan3A_192 : i32
        %broadcast_in_dim3A_194 = vector.broadcast %scan3A_193 : i32 to vector<16xi32>
        %add3A_195 = arith.addi %add3A_70, %broadcast_in_dim3A_194 : vector<16xi32>
        %gather3A_196 = tpu.vector_load_idx %arg6[%add3A_66, %add3A_195] : memref<32x624xf32, #tpu.memory_space<vmem>>[vector<16xi32>, vector<16xi32>], vector<16xf32>,
        %gather3A_197 = tpu.vector_load_idx %arg8[%add3A_66, %broadcast_in_dim3A_194] : memref<32x300xf32, #tpu.memory_space<vmem>>[vector<16xi32>, vector<16xi32>], vector<16xf32>,
        %mul3A_198 = arith.mulf %gather3A_197, %gather3A_196 : vector<16xf32>
        %add3A_199 = arith.addf %add3A_191, %mul3A_198 : vector<16xf32>
        %scan3A_200 = arith.constant 5 : i32
        %scan3A_201 = arith.addi %scan3A_161, %scan3A_200 : i32
        %broadcast_in_dim3A_202 = vector.broadcast %scan3A_201 : i32 to vector<16xi32>
        %add3A_203 = arith.addi %add3A_70, %broadcast_in_dim3A_202 : vector<16xi32>
        %gather3A_204 = tpu.vector_load_idx %arg6[%add3A_66, %add3A_203] : memref<32x624xf32, #tpu.memory_space<vmem>>[vector<16xi32>, vector<16xi32>], vector<16xf32>,
        %gather3A_205 = tpu.vector_load_idx %arg8[%add3A_66, %broadcast_in_dim3A_202] : memref<32x300xf32, #tpu.memory_space<vmem>>[vector<16xi32>, vector<16xi32>], vector<16xf32>,
        %mul3A_206 = arith.mulf %gather3A_205, %gather3A_204 : vector<16xf32>
        %add3A_207 = arith.addf %add3A_199, %mul3A_206 : vector<16xf32>
        scf.yield %add3A_207 : vector<16xf32>
      }
      %scan3A_78 = arith.constant 300 : i32
      %add3A_79 = arith.addf %scan3A_37, %scan3A_77 : vector<16xf32>
      %add3A_80 = arith.constant 16 : i32
      %add3A_81 = vector.broadcast %add3A_80 : i32 to vector<16xi32>
      %add3A_82 = arith.addi %add3A_81, %iota3A : vector<16xi32>
      %get3A_83 = arith.constant 16 : index
      %get3A_84 = tpu.vector_load %arg10[%get3A_83] {strides = array<i32>} : memref<32xi32, #tpu.memory_space<vmem>>, vector<16xi32>,
      %add3A_85 = arith.constant 160 : i32
      %add3A_86 = vector.broadcast %add3A_85 : i32 to vector<16xi32>
      %add3A_87 = arith.addi %get3A_84, %add3A_86 : vector<16xi32>
      %broadcast_in_dim3A_88 = arith.constant 0.000000e+00 : f32
      %broadcast_in_dim3A_89 = vector.broadcast %broadcast_in_dim3A_88 : f32 to vector<16xf32>
      %scan3A_90 = arith.constant 0 : i32
      %scan3A_91 = arith.constant 300 : i32
      %scan3A_92 = arith.addi %scan3A_90, %scan3A_91 : i32
      %scan3A_93 = arith.constant 6 : i32
      %scan3A_94 = scf.for %scan3A_161 = %scan3A_90 to %scan3A_92 step %scan3A_93 iter_args(%scan3A_162 = %broadcast_in_dim3A_89) -> (vector<16xf32>)  : i32 {
        %broadcast_in_dim3A_163 = vector.broadcast %scan3A_161 : i32 to vector<16xi32>
        %add3A_164 = arith.addi %add3A_87, %broadcast_in_dim3A_163 : vector<16xi32>
        %gather3A = tpu.vector_load_idx %arg6[%add3A_82, %add3A_164] : memref<32x624xf32, #tpu.memory_space<vmem>>[vector<16xi32>, vector<16xi32>], vector<16xf32>,
        %gather3A_165 = tpu.vector_load_idx %arg8[%add3A_82, %broadcast_in_dim3A_163] : memref<32x300xf32, #tpu.memory_space<vmem>>[vector<16xi32>, vector<16xi32>], vector<16xf32>,
        %mul3A_166 = arith.mulf %gather3A_165, %gather3A : vector<16xf32>
        %add3A_167 = arith.addf %scan3A_162, %mul3A_166 : vector<16xf32>
        %scan3A_168 = arith.constant 1 : i32
        %scan3A_169 = arith.addi %scan3A_161, %scan3A_168 : i32
        %broadcast_in_dim3A_170 = vector.broadcast %scan3A_169 : i32 to vector<16xi32>
        %add3A_171 = arith.addi %add3A_87, %broadcast_in_dim3A_170 : vector<16xi32>
        %gather3A_172 = tpu.vector_load_idx %arg6[%add3A_82, %add3A_171] : memref<32x624xf32, #tpu.memory_space<vmem>>[vector<16xi32>, vector<16xi32>], vector<16xf32>,
        %gather3A_173 = tpu.vector_load_idx %arg8[%add3A_82, %broadcast_in_dim3A_170] : memref<32x300xf32, #tpu.memory_space<vmem>>[vector<16xi32>, vector<16xi32>], vector<16xf32>,
        %mul3A_174 = arith.mulf %gather3A_173, %gather3A_172 : vector<16xf32>
        %add3A_175 = arith.addf %add3A_167, %mul3A_174 : vector<16xf32>
        %scan3A_176 = arith.constant 2 : i32
        %scan3A_177 = arith.addi %scan3A_161, %scan3A_176 : i32
        %broadcast_in_dim3A_178 = vector.broadcast %scan3A_177 : i32 to vector<16xi32>
        %add3A_179 = arith.addi %add3A_87, %broadcast_in_dim3A_178 : vector<16xi32>
        %gather3A_180 = tpu.vector_load_idx %arg6[%add3A_82, %add3A_179] : memref<32x624xf32, #tpu.memory_space<vmem>>[vector<16xi32>, vector<16xi32>], vector<16xf32>,
        %gather3A_181 = tpu.vector_load_idx %arg8[%add3A_82, %broadcast_in_dim3A_178] : memref<32x300xf32, #tpu.memory_space<vmem>>[vector<16xi32>, vector<16xi32>], vector<16xf32>,
        %mul3A_182 = arith.mulf %gather3A_181, %gather3A_180 : vector<16xf32>
        %add3A_183 = arith.addf %add3A_175, %mul3A_182 : vector<16xf32>
        %scan3A_184 = arith.constant 3 : i32
        %scan3A_185 = arith.addi %scan3A_161, %scan3A_184 : i32
        %broadcast_in_dim3A_186 = vector.broadcast %scan3A_185 : i32 to vector<16xi32>
        %add3A_187 = arith.addi %add3A_87, %broadcast_in_dim3A_186 : vector<16xi32>
        %gather3A_188 = tpu.vector_load_idx %arg6[%add3A_82, %add3A_187] : memref<32x624xf32, #tpu.memory_space<vmem>>[vector<16xi32>, vector<16xi32>], vector<16xf32>,
        %gather3A_189 = tpu.vector_load_idx %arg8[%add3A_82, %broadcast_in_dim3A_186] : memref<32x300xf32, #tpu.memory_space<vmem>>[vector<16xi32>, vector<16xi32>], vector<16xf32>,
        %mul3A_190 = arith.mulf %gather3A_189, %gather3A_188 : vector<16xf32>
        %add3A_191 = arith.addf %add3A_183, %mul3A_190 : vector<16xf32>
        %scan3A_192 = arith.constant 4 : i32
        %scan3A_193 = arith.addi %scan3A_161, %scan3A_192 : i32
        %broadcast_in_dim3A_194 = vector.broadcast %scan3A_193 : i32 to vector<16xi32>
        %add3A_195 = arith.addi %add3A_87, %broadcast_in_dim3A_194 : vector<16xi32>
        %gather3A_196 = tpu.vector_load_idx %arg6[%add3A_82, %add3A_195] : memref<32x624xf32, #tpu.memory_space<vmem>>[vector<16xi32>, vector<16xi32>], vector<16xf32>,
        %gather3A_197 = tpu.vector_load_idx %arg8[%add3A_82, %broadcast_in_dim3A_194] : memref<32x300xf32, #tpu.memory_space<vmem>>[vector<16xi32>, vector<16xi32>], vector<16xf32>,
        %mul3A_198 = arith.mulf %gather3A_197, %gather3A_196 : vector<16xf32>
        %add3A_199 = arith.addf %add3A_191, %mul3A_198 : vector<16xf32>
        %scan3A_200 = arith.constant 5 : i32
        %scan3A_201 = arith.addi %scan3A_161, %scan3A_200 : i32
        %broadcast_in_dim3A_202 = vector.broadcast %scan3A_201 : i32 to vector<16xi32>
        %add3A_203 = arith.addi %add3A_87, %broadcast_in_dim3A_202 : vector<16xi32>
        %gather3A_204 = tpu.vector_load_idx %arg6[%add3A_82, %add3A_203] : memref<32x624xf32, #tpu.memory_space<vmem>>[vector<16xi32>, vector<16xi32>], vector<16xf32>,
        %gather3A_205 = tpu.vector_load_idx %arg8[%add3A_82, %broadcast_in_dim3A_202] : memref<32x300xf32, #tpu.memory_space<vmem>>[vector<16xi32>, vector<16xi32>], vector<16xf32>,
        %mul3A_206 = arith.mulf %gather3A_205, %gather3A_204 : vector<16xf32>
        %add3A_207 = arith.addf %add3A_199, %mul3A_206 : vector<16xf32>
        scf.yield %add3A_207 : vector<16xf32>
      }
      %scan3A_95 = arith.constant 300 : i32
      %add3A_96 = arith.addf %add3A_79, %scan3A_94 : vector<16xf32>
      %mul3A_97 = arith.constant 2 : i32
      %mul3A_98 = arith.muli %mul3A_97, %scan3A_36 : i32
      %add3A_99 = arith.constant 1 : i32
      %add3A_100 = arith.addi %mul3A_98, %add3A_99 : i32
      %add3A_101 = arith.constant 1 : i32
      %add3A_102 = arith.addi %add3A_100, %add3A_101 : i32
      %lt3A_103 = arith.constant 16 : i32
      %lt3A_104 = arith.cmpi slt, %add3A_102, %lt3A_103 : i32
      %convert_element_type3A_105 = arith.extui %lt3A_104 : i1 to i32
      %cond3A_106 = arith.constant 0 : i32
      %cond3A_107 = arith.cmpi ne, %convert_element_type3A_105, %cond3A_106 : i32
      scf.if %cond3A_107 {
        %add3A_161 = arith.constant 1 : i32
        %add3A_162 = arith.addi %add3A_100, %add3A_161 : i32
        %mul3A_163 = arith.constant 32 : i32
        %mul3A_164 = arith.muli %add3A_162, %mul3A_163 : i32
        %add3A_165 = arith.addi %mul3A_2, %mul3A_164 : i32
        %dma_start3A_166 = arith.constant 0 : i32
        %dma_start3A_167 = arith.constant 160 : i32
        %dma_start3A_168 = tpu.memref_slice %arg6[%dma_start3A_166, %dma_start3A_167] : memref<32x624xf32, #tpu.memory_space<vmem>> -> memref<32x304xf32, #tpu.memory_space<vmem>>
        %dma_start3A_169 = arith.constant 0 : i32
        %dma_start3A_170 = tpu.memref_slice %arg2[%add3A_165, %dma_start3A_169] : memref<16384x304xf32, #tpu.memory_space<hbm>> -> memref<32x304xf32, #tpu.memory_space<hbm>>
        %dma_start3A_171 = arith.constant 0 : i32
        %dma_start3A_172 = arith.constant 160 : i32
        %dma_start3A_173 = tpu.memref_slice %arg6[%dma_start3A_171, %dma_start3A_172] : memref<32x624xf32, #tpu.memory_space<vmem>> -> memref<32x304xf32, #tpu.memory_space<vmem>>
        %dma_start3A_174 = arith.constant 0 : i32
        %dma_start3A_175 = tpu.memref_slice %arg2[%add3A_165, %dma_start3A_174] : memref<16384x304xf32, #tpu.memory_space<hbm>> -> memref<32x304xf32, #tpu.memory_space<hbm>>
        tpu.enqueue_dma source(%dma_start3A_175 : memref<32x304xf32, #tpu.memory_space<hbm>>) target(%dma_start3A_173 : memref<32x304xf32, #tpu.memory_space<vmem>>) target_semaphore(%arg13 : memref<!tpu.dma_semaphore, #tpu.memory_space<semaphore_mem>>)
        %dma_start3A_176 = arith.constant 0 : i32
        %dma_start3A_177 = tpu.memref_slice %arg3[%add3A_165, %dma_start3A_176] : memref<16384x300xf32, #tpu.memory_space<hbm>> -> memref<32x300xf32, #tpu.memory_space<hbm>>
        %dma_start3A_178 = arith.constant 0 : i32
        %dma_start3A_179 = tpu.memref_slice %arg3[%add3A_165, %dma_start3A_178] : memref<16384x300xf32, #tpu.memory_space<hbm>> -> memref<32x300xf32, #tpu.memory_space<hbm>>
        tpu.enqueue_dma source(%dma_start3A_179 : memref<32x300xf32, #tpu.memory_space<hbm>>) target(%arg8 : memref<32x300xf32, #tpu.memory_space<vmem>>) target_semaphore(%arg13 : memref<!tpu.dma_semaphore, #tpu.memory_space<semaphore_mem>>)
        %dma_start3A_180 = tpu.memref_slice %arg4[%add3A_165] : memref<16384xi32, #tpu.memory_space<hbm>> -> memref<32xi32, #tpu.memory_space<hbm>>
        %dma_start3A_181 = tpu.memref_slice %arg4[%add3A_165] : memref<16384xi32, #tpu.memory_space<hbm>> -> memref<32xi32, #tpu.memory_space<hbm>>
        tpu.enqueue_dma source(%dma_start3A_181 : memref<32xi32, #tpu.memory_space<hbm>>) target(%arg10 : memref<32xi32, #tpu.memory_space<vmem>>) target_semaphore(%arg13 : memref<!tpu.dma_semaphore, #tpu.memory_space<semaphore_mem>>)
      } else {
      }
      %mul3A_108 = arith.constant 32 : i32
      %mul3A_109 = arith.muli %add3A_100, %mul3A_108 : i32
      %add3A_110 = arith.addi %mul3A_2, %mul3A_109 : i32
      %dma_wait3A_111 = arith.constant 0 : i32
      %dma_wait3A_112 = arith.constant 160 : i32
      %dma_wait3A_113 = tpu.memref_slice %arg7[%dma_wait3A_111, %dma_wait3A_112] : memref<32x624xf32, #tpu.memory_space<vmem>> -> memref<32x304xf32, #tpu.memory_space<vmem>>
      %dma_wait3A_114 = arith.constant 0 : i32
      %dma_wait3A_115 = tpu.memref_slice %arg2[%add3A_110, %dma_wait3A_114] : memref<16384x304xf32, #tpu.memory_space<hbm>> -> memref<32x304xf32, #tpu.memory_space<hbm>>
      %dma_wait3A_116 = arith.constant 0 : i32
      %dma_wait3A_117 = arith.constant 160 : i32
      %dma_wait3A_118 = tpu.memref_slice %arg7[%dma_wait3A_116, %dma_wait3A_117] : memref<32x624xf32, #tpu.memory_space<vmem>> -> memref<32x304xf32, #tpu.memory_space<vmem>>
      %dma_wait3A_119 = arith.constant 0 : i32
      %dma_wait3A_120 = tpu.memref_slice %arg2[%add3A_110, %dma_wait3A_119] : memref<16384x304xf32, #tpu.memory_space<hbm>> -> memref<32x304xf32, #tpu.memory_space<hbm>>
      tpu.wait_dma2 semaphore(%arg14 : memref<!tpu.dma_semaphore, #tpu.memory_space<semaphore_mem>>) src(%dma_wait3A_120 : memref<32x304xf32, #tpu.memory_space<hbm>>) dst(%dma_wait3A_118 : memref<32x304xf32, #tpu.memory_space<vmem>>)
      %dma_wait3A_121 = arith.constant 0 : i32
      %dma_wait3A_122 = tpu.memref_slice %arg3[%add3A_110, %dma_wait3A_121] : memref<16384x300xf32, #tpu.memory_space<hbm>> -> memref<32x300xf32, #tpu.memory_space<hbm>>
      %dma_wait3A_123 = arith.constant 0 : i32
      %dma_wait3A_124 = tpu.memref_slice %arg3[%add3A_110, %dma_wait3A_123] : memref<16384x300xf32, #tpu.memory_space<hbm>> -> memref<32x300xf32, #tpu.memory_space<hbm>>
      tpu.wait_dma2 semaphore(%arg14 : memref<!tpu.dma_semaphore, #tpu.memory_space<semaphore_mem>>) src(%dma_wait3A_124 : memref<32x300xf32, #tpu.memory_space<hbm>>) dst(%arg9 : memref<32x300xf32, #tpu.memory_space<vmem>>)
      %dma_wait3A_125 = tpu.memref_slice %arg4[%add3A_110] : memref<16384xi32, #tpu.memory_space<hbm>> -> memref<32xi32, #tpu.memory_space<hbm>>
      %dma_wait3A_126 = tpu.memref_slice %arg4[%add3A_110] : memref<16384xi32, #tpu.memory_space<hbm>> -> memref<32xi32, #tpu.memory_space<hbm>>
      tpu.wait_dma2 semaphore(%arg14 : memref<!tpu.dma_semaphore, #tpu.memory_space<semaphore_mem>>) src(%dma_wait3A_126 : memref<32xi32, #tpu.memory_space<hbm>>) dst(%arg11 : memref<32xi32, #tpu.memory_space<vmem>>)
      %add3A_127 = arith.constant 0 : i32
      %add3A_128 = vector.broadcast %add3A_127 : i32 to vector<16xi32>
      %add3A_129 = arith.addi %add3A_128, %iota3A : vector<16xi32>
      %get3A_130 = arith.constant 0 : index
      %get3A_131 = tpu.vector_load %arg11[%get3A_130] {strides = array<i32>} : memref<32xi32, #tpu.memory_space<vmem>>, vector<16xi32>,
      %add3A_132 = arith.constant 160 : i32
      %add3A_133 = vector.broadcast %add3A_132 : i32 to vector<16xi32>
      %add3A_134 = arith.addi %get3A_131, %add3A_133 : vector<16xi32>
      %broadcast_in_dim3A_135 = arith.constant 0.000000e+00 : f32
      %broadcast_in_dim3A_136 = vector.broadcast %broadcast_in_dim3A_135 : f32 to vector<16xf32>
      %scan3A_137 = arith.constant 0 : i32
      %scan3A_138 = arith.constant 300 : i32
      %scan3A_139 = arith.addi %scan3A_137, %scan3A_138 : i32
      %scan3A_140 = arith.constant 6 : i32
      %scan3A_141 = scf.for %scan3A_161 = %scan3A_137 to %scan3A_139 step %scan3A_140 iter_args(%scan3A_162 = %broadcast_in_dim3A_136) -> (vector<16xf32>)  : i32 {
        %broadcast_in_dim3A_163 = vector.broadcast %scan3A_161 : i32 to vector<16xi32>
        %add3A_164 = arith.addi %add3A_134, %broadcast_in_dim3A_163 : vector<16xi32>
        %gather3A = tpu.vector_load_idx %arg7[%add3A_129, %add3A_164] : memref<32x624xf32, #tpu.memory_space<vmem>>[vector<16xi32>, vector<16xi32>], vector<16xf32>,
        %gather3A_165 = tpu.vector_load_idx %arg9[%add3A_129, %broadcast_in_dim3A_163] : memref<32x300xf32, #tpu.memory_space<vmem>>[vector<16xi32>, vector<16xi32>], vector<16xf32>,
        %mul3A_166 = arith.mulf %gather3A_165, %gather3A : vector<16xf32>
        %add3A_167 = arith.addf %scan3A_162, %mul3A_166 : vector<16xf32>
        %scan3A_168 = arith.constant 1 : i32
        %scan3A_169 = arith.addi %scan3A_161, %scan3A_168 : i32
        %broadcast_in_dim3A_170 = vector.broadcast %scan3A_169 : i32 to vector<16xi32>
        %add3A_171 = arith.addi %add3A_134, %broadcast_in_dim3A_170 : vector<16xi32>
        %gather3A_172 = tpu.vector_load_idx %arg7[%add3A_129, %add3A_171] : memref<32x624xf32, #tpu.memory_space<vmem>>[vector<16xi32>, vector<16xi32>], vector<16xf32>,
        %gather3A_173 = tpu.vector_load_idx %arg9[%add3A_129, %broadcast_in_dim3A_170] : memref<32x300xf32, #tpu.memory_space<vmem>>[vector<16xi32>, vector<16xi32>], vector<16xf32>,
        %mul3A_174 = arith.mulf %gather3A_173, %gather3A_172 : vector<16xf32>
        %add3A_175 = arith.addf %add3A_167, %mul3A_174 : vector<16xf32>
        %scan3A_176 = arith.constant 2 : i32
        %scan3A_177 = arith.addi %scan3A_161, %scan3A_176 : i32
        %broadcast_in_dim3A_178 = vector.broadcast %scan3A_177 : i32 to vector<16xi32>
        %add3A_179 = arith.addi %add3A_134, %broadcast_in_dim3A_178 : vector<16xi32>
        %gather3A_180 = tpu.vector_load_idx %arg7[%add3A_129, %add3A_179] : memref<32x624xf32, #tpu.memory_space<vmem>>[vector<16xi32>, vector<16xi32>], vector<16xf32>,
        %gather3A_181 = tpu.vector_load_idx %arg9[%add3A_129, %broadcast_in_dim3A_178] : memref<32x300xf32, #tpu.memory_space<vmem>>[vector<16xi32>, vector<16xi32>], vector<16xf32>,
        %mul3A_182 = arith.mulf %gather3A_181, %gather3A_180 : vector<16xf32>
        %add3A_183 = arith.addf %add3A_175, %mul3A_182 : vector<16xf32>
        %scan3A_184 = arith.constant 3 : i32
        %scan3A_185 = arith.addi %scan3A_161, %scan3A_184 : i32
        %broadcast_in_dim3A_186 = vector.broadcast %scan3A_185 : i32 to vector<16xi32>
        %add3A_187 = arith.addi %add3A_134, %broadcast_in_dim3A_186 : vector<16xi32>
        %gather3A_188 = tpu.vector_load_idx %arg7[%add3A_129, %add3A_187] : memref<32x624xf32, #tpu.memory_space<vmem>>[vector<16xi32>, vector<16xi32>], vector<16xf32>,
        %gather3A_189 = tpu.vector_load_idx %arg9[%add3A_129, %broadcast_in_dim3A_186] : memref<32x300xf32, #tpu.memory_space<vmem>>[vector<16xi32>, vector<16xi32>], vector<16xf32>,
        %mul3A_190 = arith.mulf %gather3A_189, %gather3A_188 : vector<16xf32>
        %add3A_191 = arith.addf %add3A_183, %mul3A_190 : vector<16xf32>
        %scan3A_192 = arith.constant 4 : i32
        %scan3A_193 = arith.addi %scan3A_161, %scan3A_192 : i32
        %broadcast_in_dim3A_194 = vector.broadcast %scan3A_193 : i32 to vector<16xi32>
        %add3A_195 = arith.addi %add3A_134, %broadcast_in_dim3A_194 : vector<16xi32>
        %gather3A_196 = tpu.vector_load_idx %arg7[%add3A_129, %add3A_195] : memref<32x624xf32, #tpu.memory_space<vmem>>[vector<16xi32>, vector<16xi32>], vector<16xf32>,
        %gather3A_197 = tpu.vector_load_idx %arg9[%add3A_129, %broadcast_in_dim3A_194] : memref<32x300xf32, #tpu.memory_space<vmem>>[vector<16xi32>, vector<16xi32>], vector<16xf32>,
        %mul3A_198 = arith.mulf %gather3A_197, %gather3A_196 : vector<16xf32>
        %add3A_199 = arith.addf %add3A_191, %mul3A_198 : vector<16xf32>
        %scan3A_200 = arith.constant 5 : i32
        %scan3A_201 = arith.addi %scan3A_161, %scan3A_200 : i32
        %broadcast_in_dim3A_202 = vector.broadcast %scan3A_201 : i32 to vector<16xi32>
        %add3A_203 = arith.addi %add3A_134, %broadcast_in_dim3A_202 : vector<16xi32>
        %gather3A_204 = tpu.vector_load_idx %arg7[%add3A_129, %add3A_203] : memref<32x624xf32, #tpu.memory_space<vmem>>[vector<16xi32>, vector<16xi32>], vector<16xf32>,
        %gather3A_205 = tpu.vector_load_idx %arg9[%add3A_129, %broadcast_in_dim3A_202] : memref<32x300xf32, #tpu.memory_space<vmem>>[vector<16xi32>, vector<16xi32>], vector<16xf32>,
        %mul3A_206 = arith.mulf %gather3A_205, %gather3A_204 : vector<16xf32>
        %add3A_207 = arith.addf %add3A_199, %mul3A_206 : vector<16xf32>
        scf.yield %add3A_207 : vector<16xf32>
      }
      %scan3A_142 = arith.constant 300 : i32
      %add3A_143 = arith.addf %add3A_96, %scan3A_141 : vector<16xf32>
      %add3A_144 = arith.constant 16 : i32
      %add3A_145 = vector.broadcast %add3A_144 : i32 to vector<16xi32>
      %add3A_146 = arith.addi %add3A_145, %iota3A : vector<16xi32>
      %get3A_147 = arith.constant 16 : index
      %get3A_148 = tpu.vector_load %arg11[%get3A_147] {strides = array<i32>} : memref<32xi32, #tpu.memory_space<vmem>>, vector<16xi32>,
      %add3A_149 = arith.constant 160 : i32
      %add3A_150 = vector.broadcast %add3A_149 : i32 to vector<16xi32>
      %add3A_151 = arith.addi %get3A_148, %add3A_150 : vector<16xi32>
      %broadcast_in_dim3A_152 = arith.constant 0.000000e+00 : f32
      %broadcast_in_dim3A_153 = vector.broadcast %broadcast_in_dim3A_152 : f32 to vector<16xf32>
      %scan3A_154 = arith.constant 0 : i32
      %scan3A_155 = arith.constant 300 : i32
      %scan3A_156 = arith.addi %scan3A_154, %scan3A_155 : i32
      %scan3A_157 = arith.constant 6 : i32
      %scan3A_158 = scf.for %scan3A_161 = %scan3A_154 to %scan3A_156 step %scan3A_157 iter_args(%scan3A_162 = %broadcast_in_dim3A_153) -> (vector<16xf32>)  : i32 {
        %broadcast_in_dim3A_163 = vector.broadcast %scan3A_161 : i32 to vector<16xi32>
        %add3A_164 = arith.addi %add3A_151, %broadcast_in_dim3A_163 : vector<16xi32>
        %gather3A = tpu.vector_load_idx %arg7[%add3A_146, %add3A_164] : memref<32x624xf32, #tpu.memory_space<vmem>>[vector<16xi32>, vector<16xi32>], vector<16xf32>,
        %gather3A_165 = tpu.vector_load_idx %arg9[%add3A_146, %broadcast_in_dim3A_163] : memref<32x300xf32, #tpu.memory_space<vmem>>[vector<16xi32>, vector<16xi32>], vector<16xf32>,
        %mul3A_166 = arith.mulf %gather3A_165, %gather3A : vector<16xf32>
        %add3A_167 = arith.addf %scan3A_162, %mul3A_166 : vector<16xf32>
        %scan3A_168 = arith.constant 1 : i32
        %scan3A_169 = arith.addi %scan3A_161, %scan3A_168 : i32
        %broadcast_in_dim3A_170 = vector.broadcast %scan3A_169 : i32 to vector<16xi32>
        %add3A_171 = arith.addi %add3A_151, %broadcast_in_dim3A_170 : vector<16xi32>
        %gather3A_172 = tpu.vector_load_idx %arg7[%add3A_146, %add3A_171] : memref<32x624xf32, #tpu.memory_space<vmem>>[vector<16xi32>, vector<16xi32>], vector<16xf32>,
        %gather3A_173 = tpu.vector_load_idx %arg9[%add3A_146, %broadcast_in_dim3A_170] : memref<32x300xf32, #tpu.memory_space<vmem>>[vector<16xi32>, vector<16xi32>], vector<16xf32>,
        %mul3A_174 = arith.mulf %gather3A_173, %gather3A_172 : vector<16xf32>
        %add3A_175 = arith.addf %add3A_167, %mul3A_174 : vector<16xf32>
        %scan3A_176 = arith.constant 2 : i32
        %scan3A_177 = arith.addi %scan3A_161, %scan3A_176 : i32
        %broadcast_in_dim3A_178 = vector.broadcast %scan3A_177 : i32 to vector<16xi32>
        %add3A_179 = arith.addi %add3A_151, %broadcast_in_dim3A_178 : vector<16xi32>
        %gather3A_180 = tpu.vector_load_idx %arg7[%add3A_146, %add3A_179] : memref<32x624xf32, #tpu.memory_space<vmem>>[vector<16xi32>, vector<16xi32>], vector<16xf32>,
        %gather3A_181 = tpu.vector_load_idx %arg9[%add3A_146, %broadcast_in_dim3A_178] : memref<32x300xf32, #tpu.memory_space<vmem>>[vector<16xi32>, vector<16xi32>], vector<16xf32>,
        %mul3A_182 = arith.mulf %gather3A_181, %gather3A_180 : vector<16xf32>
        %add3A_183 = arith.addf %add3A_175, %mul3A_182 : vector<16xf32>
        %scan3A_184 = arith.constant 3 : i32
        %scan3A_185 = arith.addi %scan3A_161, %scan3A_184 : i32
        %broadcast_in_dim3A_186 = vector.broadcast %scan3A_185 : i32 to vector<16xi32>
        %add3A_187 = arith.addi %add3A_151, %broadcast_in_dim3A_186 : vector<16xi32>
        %gather3A_188 = tpu.vector_load_idx %arg7[%add3A_146, %add3A_187] : memref<32x624xf32, #tpu.memory_space<vmem>>[vector<16xi32>, vector<16xi32>], vector<16xf32>,
        %gather3A_189 = tpu.vector_load_idx %arg9[%add3A_146, %broadcast_in_dim3A_186] : memref<32x300xf32, #tpu.memory_space<vmem>>[vector<16xi32>, vector<16xi32>], vector<16xf32>,
        %mul3A_190 = arith.mulf %gather3A_189, %gather3A_188 : vector<16xf32>
        %add3A_191 = arith.addf %add3A_183, %mul3A_190 : vector<16xf32>
        %scan3A_192 = arith.constant 4 : i32
        %scan3A_193 = arith.addi %scan3A_161, %scan3A_192 : i32
        %broadcast_in_dim3A_194 = vector.broadcast %scan3A_193 : i32 to vector<16xi32>
        %add3A_195 = arith.addi %add3A_151, %broadcast_in_dim3A_194 : vector<16xi32>
        %gather3A_196 = tpu.vector_load_idx %arg7[%add3A_146, %add3A_195] : memref<32x624xf32, #tpu.memory_space<vmem>>[vector<16xi32>, vector<16xi32>], vector<16xf32>,
        %gather3A_197 = tpu.vector_load_idx %arg9[%add3A_146, %broadcast_in_dim3A_194] : memref<32x300xf32, #tpu.memory_space<vmem>>[vector<16xi32>, vector<16xi32>], vector<16xf32>,
        %mul3A_198 = arith.mulf %gather3A_197, %gather3A_196 : vector<16xf32>
        %add3A_199 = arith.addf %add3A_191, %mul3A_198 : vector<16xf32>
        %scan3A_200 = arith.constant 5 : i32
        %scan3A_201 = arith.addi %scan3A_161, %scan3A_200 : i32
        %broadcast_in_dim3A_202 = vector.broadcast %scan3A_201 : i32 to vector<16xi32>
        %add3A_203 = arith.addi %add3A_151, %broadcast_in_dim3A_202 : vector<16xi32>
        %gather3A_204 = tpu.vector_load_idx %arg7[%add3A_146, %add3A_203] : memref<32x624xf32, #tpu.memory_space<vmem>>[vector<16xi32>, vector<16xi32>], vector<16xf32>,
        %gather3A_205 = tpu.vector_load_idx %arg9[%add3A_146, %broadcast_in_dim3A_202] : memref<32x300xf32, #tpu.memory_space<vmem>>[vector<16xi32>, vector<16xi32>], vector<16xf32>,
        %mul3A_206 = arith.mulf %gather3A_205, %gather3A_204 : vector<16xf32>
        %add3A_207 = arith.addf %add3A_199, %mul3A_206 : vector<16xf32>
        scf.yield %add3A_207 : vector<16xf32>
      }
      %scan3A_159 = arith.constant 300 : i32
      %add3A_160 = arith.addf %add3A_143, %scan3A_158 : vector<16xf32>
      scf.yield %add3A_160 : vector<16xf32>
    }
    %scan3A_34 = arith.constant 8 : i32
    %swap3A = arith.constant 0 : index
    %swap3A_35 = tpu.vector_load %arg12[%swap3A] {strides = array<i32>} : memref<16xf32, #tpu.memory_space<vmem>>, vector<16xf32>,
    tpu.vector_store %arg12[%swap3A], %scan3A_33 {strides = array<i32>} : memref<16xf32, #tpu.memory_space<vmem>>, vector<16xf32>,
    "tpu.region"() ({
      %run_scoped3A = tpu.sem_alloc : memref<!tpu.dma_semaphore, #tpu.memory_space<semaphore_mem>>
      %dma_start3A_36 = arith.constant 0 : i32
      %dma_start3A_37 = tpu.memref_slice %arg5[%add3A, %dma_start3A_36] : memref<32x16xf32, #tpu.memory_space<hbm>> -> memref<1x16xf32, #tpu.memory_space<hbm>>
      %dma_start3A_38 = tpu.memref_squeeze %dma_start3A_37 : memref<1x16xf32, #tpu.memory_space<hbm>> -> memref<16xf32, #tpu.memory_space<hbm>>
      %dma_start3A_39 = arith.constant 0 : i32
      %dma_start3A_40 = tpu.memref_slice %arg5[%add3A, %dma_start3A_39] : memref<32x16xf32, #tpu.memory_space<hbm>> -> memref<1x16xf32, #tpu.memory_space<hbm>>
      %dma_start3A_41 = tpu.memref_squeeze %dma_start3A_40 : memref<1x16xf32, #tpu.memory_space<hbm>> -> memref<16xf32, #tpu.memory_space<hbm>>
      tpu.enqueue_dma source(%arg12 : memref<16xf32, #tpu.memory_space<vmem>>) target(%dma_start3A_41 : memref<16xf32, #tpu.memory_space<hbm>>) target_semaphore(%run_scoped3A : memref<!tpu.dma_semaphore, #tpu.memory_space<semaphore_mem>>)
      %dma_wait3A = arith.constant 0 : i32
      %dma_wait3A_42 = tpu.memref_slice %arg5[%add3A, %dma_wait3A] : memref<32x16xf32, #tpu.memory_space<hbm>> -> memref<1x16xf32, #tpu.memory_space<hbm>>
      %dma_wait3A_43 = tpu.memref_squeeze %dma_wait3A_42 : memref<1x16xf32, #tpu.memory_space<hbm>> -> memref<16xf32, #tpu.memory_space<hbm>>
      %dma_wait3A_44 = arith.constant 0 : i32
      %dma_wait3A_45 = tpu.memref_slice %arg5[%add3A, %dma_wait3A_44] : memref<32x16xf32, #tpu.memory_space<hbm>> -> memref<1x16xf32, #tpu.memory_space<hbm>>
      %dma_wait3A_46 = tpu.memref_squeeze %dma_wait3A_45 : memref<1x16xf32, #tpu.memory_space<hbm>> -> memref<16xf32, #tpu.memory_space<hbm>>
      tpu.wait_dma2 semaphore(%run_scoped3A : memref<!tpu.dma_semaphore, #tpu.memory_space<semaphore_mem>>) src(%arg12 : memref<16xf32, #tpu.memory_space<vmem>>) dst(%dma_wait3A_46 : memref<16xf32, #tpu.memory_space<hbm>>)
      tpu.yield
    }) : () -> ()
    return
  }
}

module attributes {stable_mosaic.version = 14 : i64} {
  func.func @_prep_body(%arg0: i32, %arg1: memref<256x300xf32, #tpu.memory_space<vmem>>, %arg2: memref<256x300xf32, #tpu.memory_space<vmem>>, %arg3: memref<256x1xf32, #tpu.memory_space<vmem>>, %arg4: memref<256x1xf32, #tpu.memory_space<vmem>>, %arg5: memref<256x304xf32, #tpu.memory_space<vmem>>, %arg6: memref<256x300xf32, #tpu.memory_space<vmem>>, %arg7: memref<256x1xi32, #tpu.memory_space<vmem>>) attributes {dimension_semantics = [#tpu.dimension_semantics<arbitrary>], iteration_bounds = array<i64: 64>, scalar_prefetch = 0 : i64, scratch_operands = 0 : i64, tpu.core_type = #tpu.core_type<tc>, window_params = [{transform_indices = @transform_0, window_bounds = array<i64: 256, 300>}, {transform_indices = @transform_1, window_bounds = array<i64: 256, 300>}, {transform_indices = @transform_2, window_bounds = array<i64: 256, 1>}, {transform_indices = @transform_3, window_bounds = array<i64: 256, 1>}, {transform_indices = @transform_4, window_bounds = array<i64: 256, 304>}, {transform_indices = @transform_5, window_bounds = array<i64: 256, 300>}, {transform_indices = @transform_6, window_bounds = array<i64: 256, 1>}]} {
    %get3A = arith.constant 0 : index
    %get3A_0 = arith.constant 0 : index
    %get3A_1 = vector.load %arg1[%get3A, %get3A_0] : memref<256x300xf32, #tpu.memory_space<vmem>>, vector<256x300xf32>
    %reduce_max3A = arith.constant dense<0xFF800000> : vector<256xf32>
    %reduce_max3A_2 = vector.multi_reduction <maximumf>, %get3A_1, %reduce_max3A [1] : vector<256x300xf32> to vector<256xf32>
    %broadcast_in_dim3A = vector.shape_cast %reduce_max3A_2 : vector<256xf32> to vector<256x1xf32>
    %sub3A = vector.broadcast %broadcast_in_dim3A : vector<256x1xf32> to vector<256x300xf32>
    %sub3A_3 = arith.subf %get3A_1, %sub3A : vector<256x300xf32>
    %exp3A = math.exp %sub3A_3 : vector<256x300xf32>
    %reduce_sum3A = arith.constant dense<0.000000e+00> : vector<256xf32>
    %reduce_sum3A_4 = vector.multi_reduction <add>, %exp3A, %reduce_sum3A [1] : vector<256x300xf32> to vector<256xf32>
    %broadcast_in_dim3A_5 = vector.shape_cast %reduce_sum3A_4 : vector<256xf32> to vector<256x1xf32>
    %log3A = math.log %broadcast_in_dim3A_5 : vector<256x1xf32>
    %add3A = arith.addf %broadcast_in_dim3A, %log3A : vector<256x1xf32>
    %sub3A_6 = vector.broadcast %add3A : vector<256x1xf32> to vector<256x300xf32>
    %sub3A_7 = arith.subf %get3A_1, %sub3A_6 : vector<256x300xf32>
    %broadcast_in_dim3A_8 = arith.constant 0.000000e+00 : f32
    %broadcast_in_dim3A_9 = vector.broadcast %broadcast_in_dim3A_8 : f32 to vector<256x4xf32>
    %concatenate3A = tpu.concatenate %sub3A_7, %broadcast_in_dim3A_9 in 1 : vector<256x300xf32>, vector<256x4xf32> -> vector<256x304xf32>
    %swap3A = arith.constant 0 : index
    %swap3A_10 = arith.constant 0 : index
    %swap3A_11 = vector.load %arg5[%swap3A, %swap3A_10] : memref<256x304xf32, #tpu.memory_space<vmem>>, vector<256x304xf32>
    tpu.vector_store %arg5[%swap3A, %swap3A_10], %concatenate3A {strides = array<i32>} : memref<256x304xf32, #tpu.memory_space<vmem>>, vector<256x304xf32>,
    %get3A_12 = arith.constant 0 : index
    %get3A_13 = arith.constant 0 : index
    %get3A_14 = vector.load %arg2[%get3A_12, %get3A_13] : memref<256x300xf32, #tpu.memory_space<vmem>>, vector<256x300xf32>
    %reduce_max3A_15 = arith.constant dense<0xFF800000> : vector<256xf32>
    %reduce_max3A_16 = vector.multi_reduction <maximumf>, %get3A_14, %reduce_max3A_15 [1] : vector<256x300xf32> to vector<256xf32>
    %broadcast_in_dim3A_17 = vector.shape_cast %reduce_max3A_16 : vector<256xf32> to vector<256x1xf32>
    %sub3A_18 = vector.broadcast %broadcast_in_dim3A_17 : vector<256x1xf32> to vector<256x300xf32>
    %sub3A_19 = arith.subf %get3A_14, %sub3A_18 : vector<256x300xf32>
    %exp3A_20 = math.exp %sub3A_19 : vector<256x300xf32>
    %reduce_sum3A_21 = arith.constant dense<0.000000e+00> : vector<256xf32>
    %reduce_sum3A_22 = vector.multi_reduction <add>, %exp3A_20, %reduce_sum3A_21 [1] : vector<256x300xf32> to vector<256xf32>
    %broadcast_in_dim3A_23 = vector.shape_cast %reduce_sum3A_22 : vector<256xf32> to vector<256x1xf32>
    %div3A = vector.broadcast %broadcast_in_dim3A_23 : vector<256x1xf32> to vector<256x300xf32>
    %div3A_24 = arith.divf %exp3A_20, %div3A : vector<256x300xf32>
    %swap3A_25 = arith.constant 0 : index
    %swap3A_26 = arith.constant 0 : index
    %swap3A_27 = vector.load %arg6[%swap3A_25, %swap3A_26] : memref<256x300xf32, #tpu.memory_space<vmem>>, vector<256x300xf32>
    tpu.vector_store %arg6[%swap3A_25, %swap3A_26], %div3A_24 {strides = array<i32>} : memref<256x300xf32, #tpu.memory_space<vmem>>, vector<256x300xf32>,
    %get3A_28 = arith.constant 0 : index
    %get3A_29 = arith.constant 0 : index
    %get3A_30 = vector.load %arg4[%get3A_28, %get3A_29] : memref<256x1xf32, #tpu.memory_space<vmem>>, vector<256x1xf32>
    %get3A_31 = arith.constant 0 : index
    %get3A_32 = arith.constant 0 : index
    %get3A_33 = vector.load %arg3[%get3A_31, %get3A_32] : memref<256x1xf32, #tpu.memory_space<vmem>>, vector<256x1xf32>
    %div3A_34 = arith.divf %get3A_30, %get3A_33 : vector<256x1xf32>
    %log3A_35 = math.log %div3A_34 : vector<256x1xf32>
    %div3A_36 = arith.constant 0.00902683381 : f32
    %div3A_37 = vector.broadcast %div3A_36 : f32 to vector<256x1xf32>
    %div3A_38 = arith.divf %log3A_35, %div3A_37 : vector<256x1xf32>
    %round3A = math.roundeven %div3A_38 : vector<256x1xf32>
    %convert_element_type3A = arith.fptosi %round3A : vector<256x1xf32> to vector<256x1xi32>
    %neg3A = arith.constant 0 : i32
    %neg3A_39 = vector.broadcast %neg3A : i32 to vector<256x1xi32>
    %neg3A_40 = arith.subi %neg3A_39, %convert_element_type3A : vector<256x1xi32>
    %swap3A_41 = arith.constant 0 : index
    %swap3A_42 = arith.constant 0 : index
    %swap3A_43 = vector.load %arg7[%swap3A_41, %swap3A_42] : memref<256x1xi32, #tpu.memory_space<vmem>>, vector<256x1xi32>
    tpu.vector_store %arg7[%swap3A_41, %swap3A_42], %neg3A_40 {strides = array<i32>} : memref<256x1xi32, #tpu.memory_space<vmem>>, vector<256x1xi32>,
    return
  }
  func.func @transform_0(%arg0: i32) -> (i32, i32) {
    %c0_i32 = arith.constant 0 : i32
    %c0_i32_0 = arith.constant 0 : i32
    return %arg0, %c0_i32 : i32, i32
  }
  func.func @transform_1(%arg0: i32) -> (i32, i32) {
    %c0_i32 = arith.constant 0 : i32
    %c0_i32_0 = arith.constant 0 : i32
    return %arg0, %c0_i32 : i32, i32
  }
  func.func @transform_2(%arg0: i32) -> (i32, i32) {
    %c0_i32 = arith.constant 0 : i32
    %c0_i32_0 = arith.constant 0 : i32
    return %arg0, %c0_i32 : i32, i32
  }
  func.func @transform_3(%arg0: i32) -> (i32, i32) {
    %c0_i32 = arith.constant 0 : i32
    %c0_i32_0 = arith.constant 0 : i32
    return %arg0, %c0_i32 : i32, i32
  }
  func.func @transform_4(%arg0: i32) -> (i32, i32) {
    %c0_i32 = arith.constant 0 : i32
    %c0_i32_0 = arith.constant 0 : i32
    return %arg0, %c0_i32 : i32, i32
  }
  func.func @transform_5(%arg0: i32) -> (i32, i32) {
    %c0_i32 = arith.constant 0 : i32
    %c0_i32_0 = arith.constant 0 : i32
    return %arg0, %c0_i32 : i32, i32
  }
  func.func @transform_6(%arg0: i32) -> (i32, i32) {
    %c0_i32 = arith.constant 0 : i32
    %c0_i32_0 = arith.constant 0 : i32
    return %arg0, %c0_i32 : i32, i32
  }
}

</mosaic_0001>

<sc_bundles>
// kernel: kernel.4.cloned.1.call-start
scs
__scs_entry_jumppad:
0x0: {  	(pc) =	sbr.rel $0x88, $3  }
0x1: {  	(tag) =	ssettag $0x0;
	lr =	simm.s32 $0x1  }
0x2: {  	[smem:$0x3F9D] =	sst lr;
	_ =	strace $0xD0000000  }
0x3: {  	_ = 	snop  }
0x4: {  	_ = 	snop  }
0x5: {  	_ = 	snop  }
0x6: {  	_ = 	snop  }
0x7: {  	_ = 	snop  }
__scs_overlays_trampoline_lowered:
0x8: {  	[smem:$0x3FAC] =	sst s0  }
0x9: {  	[smem:$0x3FAD] =	sst s1  }
0xa: {  	[smem:$0x3FAE] =	sst s2  }
0xb: {  	[smem:$0x3FAF] =	sst s3  }
0xc: {  	[smem:$0x3FB0] =	sst s4  }
0xd: {  	[smem:$0x3FB1] =	sst s5  }
0xe: {  	[smem:$0x3FB2] =	sst s6  }
0xf: {  	[smem:$0x3FB3] =	sst s7  }
0x10: {  	[smem:$0x3FB4] =	sst s8  }
0x11: {  	[smem:$0x3FB5] =	sst s9;
	s0 =	simm.s32 @!p0 $0x0  }
0x12: {  	s1 =	sld [smem:$0x3F9B];
	s0 =	simm.s32 @p0 $0x1  }
0x13: {  	[smem:$0x3FB6] =	sst s0;
	s0 =	simm.s32 @!p1 $0x0  }
0x14: {  	s2 =	sld [smem:$0x3F9A];
	s0 =	simm.s32 @p1 $0x1  }
0x15: {  	[smem:$0x3FB7] =	sst s0;
	s0 =	simm.s32 @!p2 $0x0  }
0x16: {  	s3 =	sld [smem:$0x3FDB];
	s0 =	simm.s32 @p2 $0x1  }
0x17: {  	s4 =	simm.s32 $0x1BF5;
	[smem:$0x3FB9] =	sst s0  }
0x18: {  	s0 =	sld [smem:$0x3F9C];
	_ =	swait.ge [sflag:s4], $0x0  }
0x19: {  	s7 =	sld [smem:$0x3F9D]  }
0x1a: {  	s8 =	sadd.s32 $0xFFFFE003, lr  }
0x1b: {  	s9 =	sadd.s32 $0xFFFFFEF7, lr;
	s5 =	simm.s32 $0xFFFFFFFF;
	p2 =	slt.u32 s8, $0xFFFFF086  }
0x1c: {  	p1 =	slt.u32 s9, $0xF7A;
	s5 =	simm.s32 @!p2 $0x0  }
0x1d: {  	s5 =	simm.s32 @p1 $0x1;
	p0 =	seq.s32 s7, s2  }
0x1e: {  	s7 =	smul.u32 @!p0 $0xF7A, s2;
	p2 =	seq.s32 @!p0 s5, $0x0  }
0x1f: {  	s9 =	smul.u32 $0xF7A, s1;
	s8 =	simm.s32 @!p0 $0x1BF5;
	p2 =	por !p2, p0  }
0x20: {  	[sflag:s8] =	ssyncset.s32 @!p0 $0xFFFFF086;
	s6 =	sadd.s32 @!p0 s3, s7;
	s7 =	simm.s32 @!p0 $0x108  }
0x21: {  	s3 =	sadd.s32 s3, s9;
	s6 =	sadd.s32 @!p0 $0x88, s6;
	s7 =	simm.s32 @p2 $0x1082  }
0x22: {  	[simem:s7], [sflag:s8] =	dma.local @!p0 [hbm:s6], $0xF7A  }
0x23: {  	s9 =	sor.u32 $0xD0000000, s2;
	s6 =	simm.s32 $0x108;
	_ =	swait.ge @!p0 [sflag:s8], $0x0  }
0x24: {  	s3 =	sadd.s32 $0x88, s3;
	s6 =	simm.s32 @!p1 $0x1082;
	[sflag:s4] =	ssyncset.s32 $0xFFFFF086  }
0x25: {  	[simem:s6], [sflag:s4] =	dma.local [hbm:s3], $0xF7A  }
0x26: {  	[smem:$0x3F9D] =	sst s1;
	(tag) =	ssettag s2;
	_ =	strace s9  }
0x27: {  	s1 =	sld [smem:$0x3FAD]  }
0x28: {  	s2 =	sld [smem:$0x3FAE]  }
0x29: {  	s4 =	sld [smem:$0x3FB0]  }
0x2a: {  	p0 =	seq.s32 s5, $0x0;
	s5 =	sld [smem:$0x3FB1]  }
0x2b: {  	s6 =	sld [smem:$0x3FB2]  }
0x2c: {  	s7 =	sld [smem:$0x3FB3]  }
0x2d: {  	s3 =	simm.s32 $0x108;
	s8 =	sld [smem:$0x3FB4]  }
0x2e: {  	s3 =	simm.s32 @!p0 $0x1082;
	s9 =	sld [smem:$0x3FB5]  }
0x2f: {  	lr =	sadd.s32 s0, s3;
	s0 =	sld [smem:$0x3FAC]  }
0x30: {  	s3 =	sld [smem:$0x3FAF]  }
0x31: {  	[smem:$0x3FB8] =	sst s10  }
0x32: {  	s10 =	sld [smem:$0x3FB6];
	_ =	sdelay $0x3  }
0x33: {  	p0 =	seq.s32 s10, $0x1;
	s10 =	sld [smem:$0x3FB8];
	_ =	sdelay $0x3  }
0x34: {  	[smem:$0x3FB8] =	sst s10  }
0x35: {  	s10 =	sld [smem:$0x3FB7];
	_ =	sdelay $0x3  }
0x36: {  	p1 =	seq.s32 s10, $0x1;
	s10 =	sld [smem:$0x3FB8];
	_ =	sdelay $0x3  }
0x37: {  	[smem:$0x3FB8] =	sst s10  }
0x38: {  	s10 =	sld [smem:$0x3FB9]  }
0x39: {  	_ = 	snop;
	(pc) =	sbr.ind lr, $3  }
0x3a: {  	_ = 	snop  }
0x3b: {  	_ = 	snop  }
0x3c: {  	p2 =	seq.s32 s10, $0x1;
	s10 =	sld [smem:$0x3FB8]  }
0x3d: {  	_ =	shalt  }
0x3e: {  	_ =	shalt  }
0x3f: {  	_ =	shalt  }
0x40: {  	_ =	shalt  }
0x41: {  	_ =	shalt  }
0x42: {  	_ =	shalt  }
0x43: {  	_ =	shalt  }
0x44: {  	_ =	shalt  }
0x45: {  	_ =	shalt  }
0x46: {  	_ =	shalt  }
0x47: {  	_ =	shalt  }
0x48: {  	_ =	shalt  }
0x49: {  	_ =	shalt  }
0x4a: {  	_ =	shalt  }
0x4b: {  	_ =	shalt  }
0x4c: {  	_ =	shalt  }
0x4d: {  	_ =	shalt  }
0x4e: {  	_ =	shalt  }
0x4f: {  	_ =	shalt  }
0x50: {  	_ =	shalt  }
0x51: {  	_ =	shalt  }
0x52: {  	_ =	shalt  }
0x53: {  	_ =	shalt  }
0x54: {  	_ =	shalt  }
0x55: {  	_ =	shalt  }
0x56: {  	_ =	shalt  }
0x57: {  	_ =	shalt  }
0x58: {  	_ =	shalt  }
0x59: {  	_ =	shalt  }
0x5a: {  	_ =	shalt  }
0x5b: {  	_ =	shalt  }
0x5c: {  	_ =	shalt  }
0x5d: {  	_ =	shalt  }
0x5e: {  	_ =	shalt  }
0x5f: {  	_ =	shalt  }
0x60: {  	_ =	shalt  }
0x61: {  	_ =	shalt  }
0x62: {  	_ =	shalt  }
0x63: {  	_ =	shalt  }
0x64: {  	_ =	shalt  }
0x65: {  	_ =	shalt  }
0x66: {  	_ =	shalt  }
0x67: {  	_ =	shalt  }
0x68: {  	_ =	shalt  }
0x69: {  	_ =	shalt  }
0x6a: {  	_ =	shalt  }
0x6b: {  	_ =	shalt  }
0x6c: {  	_ =	shalt  }
0x6d: {  	_ =	shalt  }
0x6e: {  	_ =	shalt  }
0x6f: {  	_ =	shalt  }
0x70: {  	_ =	shalt  }
0x71: {  	_ =	shalt  }
0x72: {  	_ =	shalt  }
0x73: {  	_ =	shalt  }
0x74: {  	_ =	shalt  }
0x75: {  	_ =	shalt  }
0x76: {  	_ =	shalt  }
0x77: {  	_ =	shalt  }
0x78: {  	_ =	shalt  }
0x79: {  	_ =	shalt  }
0x7a: {  	_ =	shalt  }
0x7b: {  	_ =	shalt  }
0x7c: {  	_ =	shalt  }
0x7d: {  	_ =	shalt  }
0x7e: {  	_ =	shalt  }
0x7f: {  	_ =	shalt  }
0x80: {  	_ =	shalt  }
0x81: {  	_ =	shalt  }
0x82: {  	_ =	shalt  }
0x83: {  	_ =	shalt  }
0x84: {  	_ =	shalt  }
0x85: {  	_ =	shalt  }
0x86: {  	_ =	shalt  }
0x87: {  	_ =	shalt  }
.Lfunc_end0:
.L_simem_size_0:
called_computation_lowered:
.L_overlay_start_0:
0x88: {  	s2 =	sld [smem:$0x3FD9]  }
0x89: {  	s3 =	sld [smem:$0x3FFE];
	_ =	sdelay $0x1  }
0x8a: {  	s1 =	srdreg.scid  }
0x8b: {  	s0 =	sand.u32 $0x1, s1  }
0x8c: {  	s16 =	sshll.u32 s0, $0xA;
	s2 =	sadd.s32 s3, s2  }
0x8d: {  	s2 =	sadd.s32 s2, s16  }
0x8e: {  	[smem:$0x3FC4] =	sst s2  }
0x8f: {  	_ = 	snop  }
0x90: {  	(tm) =	ssettm $0x1  }
0x91: {  	s17 =	sld [smem:$0x3FFB];
	_ =	sdelay $0x3  }
0x92: {  	_ =	strace s17  }
0x93: {  	s2 =	sld [smem:$0x3FFC];
	_ =	sdelay $0x3  }
0x94: {  	_ =	strace s2  }
0x95: {  	s2 =	sld [smem:$0x3FFD];
	_ =	sdelay $0x3  }
0x96: {  	_ =	strace s2  }
0x97: {  	_ =	strace $0x8FFFFFFF  }
0x98: {  	s18 =	sld [smem:$0x3FDB];
	_ =	sdelay $0x1  }
0x99: {  	s19 =	simm.s32 $_scs_section_size  }
0x9a: {  	s4 =	simm.s32 $_size__tile_overlayer_lowered;
	s5 =	simm.s32 $_tile_overlayer_lowered  }
0x9b: {  	s22 =	simm.s32 $0x1BFF;
	s21 =	sshll.u32 s5, $0x1;
	s2 =	sadd.s32 s19, s18  }
0x9c: {  	s6 =	simm.s32 $0x0;
	s20 =	sshll.u32 s4, $0x1;
	s4 =	sadd.s32 s21, s2  }
0x9d: {  	[timem:s6], [sflag:s22] =	dma.local [hbm:s4], s20  }
0x9e: {  	_ =	swait.ge [sflag:s22], s20  }
0x9f: {  	s3 =	ssub.s32 $0x0, s20;
	[sflag:s22] =	ssyncset.done $0x0  }
0xa0: {  	[sflag:s22] =	ssyncadd.s32 s3;
	_ =	sdelay $0x1  }
0xa1: {  	s23 =	simm.s32 $0x1B8B  }
0xa2: {  	_ =	swait.ge [sflag:s23], $0x1  }
0xa3: {  	[sflag:s23] =	ssyncset.done $0x0  }
0xa4: {  	s25 =	simm.s32 $0x1B8E;
	s24 =	sld [smem:$0x3FFE];
	[sflag:s23] =	ssyncadd.s32 $0xFFFFFFFF  }
0xa5: {  	s26 =	simm.s32 $execute0_lowered;
	[smem:$0x3FD2] =	sst s25  }
0xa6: {  	s4 =	sshll.u32 s26, $0x1;
	_ =	strace $0x80000046;
	[dreg:$0x1] =	wrdreg $0xFFFFFFFF  }
0xa7: {  	s28 =	simm.s32 $_size_execute0_lowered;
	s2 =	sadd.s32 s2, s4;
	[dreg:$0x0] =	wrdreg $0x0  }
0xa8: {  	s4 =	sshll.u32 s28, $0x1;
	[dreg:$0x2] =	wrdreg s2  }
0xa9: {  	[dreg:$0x3] =	wrdreg s4  }
0xaa: {  	[dreg:$0x4] =	wrdreg $0xC0  }
0xab: {  	_ =	task [dreg:s6], $0x5FFFF  }
0xac: {  	[dreg:$0x1] =	wrdreg $0xFFFFFFFF  }
0xad: {  	[dreg:$0x0] =	wrdreg $0x60  }
0xae: {  	[dreg:$0x2] =	wrdreg s24  }
0xaf: {  	[dreg:$0x3] =	wrdreg $0x9  }
0xb0: {  	_ =	task.clear_ibuf [dreg:s6], $0x4FFFF;
	_ =	strace $0x90000046  }
0xb1: {  	s29 =	simm.s32 $0x9;
	_ =	strace $0x80000048  }
0xb2: {  	_ =	swait.ge [sflag:s29], $0x1  }
0xb3: {  	[sflag:s29] =	ssyncadd.s32 $0xFFFFFFFF  }
0xb4: {  	_ =	strace $0x90000048  }
0xb5: {  	_ =	sfence  }
0xb6: {  	s30 =	sld [smem:$0x0];
	_ =	sdelay $0x2  }
0xb7: {  	s31 =	sshll.u32 s1, $0xD;
	s1 =	sshrl.u32 s1, $0x2  }
0xb8: {  	s3 =	sand.u32 $0x4000, s31;
	s1 =	sadd.s32 s1, s30  }
0xb9: {  	s0 =	sor.u32 s3, s0;
	s1 =	sshll.u32 s1, $0x11  }
0xba: {  	s0 =	sor.u32 s1, s0  }
0xbb: {  	s0 =	sadd.s32 $0x8F2B, s0  }
0xbc: {  	[sflag:s0] =	ssyncadd.remote.s32 $0x1  }
0xbd: {  	_ =	sfence.sel $0xFFFF  }
0xbe: {  	[dreg:$0x0] =	wrdreg $0xFFFFFFFF;
	(pc) =	sbr.abs _section_cstart, $3  }
0xbf: {  	[dreg:$0x1] =	wrdreg $0xFFFFFFFF  }
0xc0: {  	_ =	task.clear_ibuf [dreg:s6], $0x2FFFF;
	_ =	strace $0x9FFFFFFF  }
0xc1: {  	(tm) =	ssettm $0x7FFFFFFF  }
tec
execute0_lowered:
.L_overlay_start_1:
0x0: {  	(tag) =	ssettag $0x1  }
0x1: {  	s1 =	rddreg [dreg:$0x0];
	s2 =	simm.s32 $0x0;
	s0 =	srdreg.scid  }
0x2: {  	s3 =	stileid.u32;
	s13 =	simm.s32 $0x4E00;
	s14 =	simm.s32 $0x9C00  }
0x3: {  	s15 =	simm.s32 $0xE800;
	s16 =	simm.s32 $0xC200;
	s17 =	simm.s32 $0xE820  }
0x4: {  	v0 =	vlaneseq.u32;
	s18 =	simm.s32 $0x1;
	s19 =	simm.s32 $0x2;
	s20 =	simm.s32 $0xE840  }
0x5: {  	v1 =	vimm.f32 $0.0e+00;
	s21 =	simm.s32 $0x3;
	s22 =	simm.s32 $0x0;
	s0 =	sand.u32 $0x1, s0;
	v2 =	vor.u32 $0x10, v0;
	v3 =	vor.u32 $0x20, v0  }
0x6: {  	[smem:$0x7FF] =	sst s2;
	s4 =	sadd.s32 $0x158000, s1;
	v4 =	vor.u32 $0x30, v0;
	v5 =	vor.u32 $0x40, v0;
	v6 =	vor.u32 $0x50, v0;
	s6 =	sshll.u32 s0, $0x4  }
0x7: {  	s5 =	sadd.s32 $0x98000, s1;
	v7 =	vor.u32 $0x60, v0;
	v8 =	vor.u32 $0x70, v0;
	v9 =	vor.u32 $0x80, v0;
	s0 =	ssub.s32 $0x2, s0;
	s8 =	sor.u32 s3, s6  }
0x8: {  	v10 =	vor.u32 $0x90, v0;
	v11 =	vor.u32 $0x1D0, v0;
	v12 =	vor.u32 $0x1E0, v0;
	_ =	strace $0x80000047;
	s7 =	sshrl.u32 s0, $0x1;
	s6 =	sshll.u32 s8, $0x1  }
0x9: {  	v13 =	vor.u32 $0x1F0, v0;
	v14 =	vor.u32 $0x200, v0;
	v15 =	vor.u32 $0x210, v0;
	s9 =	smul.u32 $0x4C00, s8;
	s12 =	sshll.u32 s8, $0x9;
	s8 =	sshll.u32 s8, $0x6  }
0xa: {  	v16 =	vor.u32 $0x220, v0;
	v17 =	vmul.u32 $0x270, v0;
	v18 =	vmul.u32 $0x130, v0;
	s0 =	ssub.s32 s0, s7;
	s10 =	sadd.s32 s6, s1;
	s8 =	sadd.s32 s5, s8  }
0xb: {  	v19 =	vor.u32 $0x230, v0;
	v20 =	vor.u32 $0x240, v0;
	v21 =	vor.u32 $0x250, v0;
	s11 =	smax.u32 s0, $0x1;
	s6 =	sadd.s32 s1, s9;
	s7 =	sadd.s32 s4, s9  }
0xc: {  	v22 =	vor.u32 $0x260, v0;
	v23 =	vadd.s32 $0x2700, v17;
	v24 =	vadd.s32 $0x1300, v18;
	s9 =	sor.u32 $0x40, s12;
	s10 =	sadd.s32 $0x98800, s10;
	s12 =	sor.u32 $0x20, s12  }
.LBB2_1:
0xd: {  	v25 =	vmov s2  }
0xe: {  	v25 =	vmul.u32 $0x270, v25;
	_ =	sdelay $0x1  }
0xf: {  	v34 =	vbroadcast v25, $0x0;
	_ =	sdelay $0x1  }
0x10: {  	v35 =	vor.u32 v0, v34  }
0x11: {  	v36 =	vadd.s32 v2, v34  }
0x12: {  	v37 =	vadd.s32 v3, v34  }
0x13: {  	v38 =	vadd.s32 v4, v34  }
0x14: {  	v39 =	vadd.s32 v5, v34  }
0x15: {  	v40 =	vadd.s32 v6, v34;
	[tilespmem:v35+s2+$0x0] =	vst.idx.msk $0xffff, v1  }
0x16: {  	v41 =	vadd.s32 v7, v34;
	[tilespmem:v36+s2+$0x0] =	vst.idx.msk $0xffff, v1  }
0x17: {  	v42 =	vadd.s32 v8, v34;
	[tilespmem:v37+s2+$0x0] =	vst.idx.msk $0xffff, v1  }
0x18: {  	v43 =	vadd.s32 v9, v34;
	[tilespmem:v38+s2+$0x0] =	vst.idx.msk $0xffff, v1  }
0x19: {  	v44 =	vadd.s32 v10, v34;
	[tilespmem:v39+s2+$0x0] =	vst.idx.msk $0xffff, v1  }
0x1a: {  	v25 =	vadd.s32 v11, v34;
	[tilespmem:v40+s2+$0x0] =	vst.idx.msk $0xffff, v1  }
0x1b: {  	v26 =	vadd.s32 v12, v34;
	[tilespmem:v41+s2+$0x0] =	vst.idx.msk $0xffff, v1  }
0x1c: {  	v27 =	vadd.s32 v13, v34;
	[tilespmem:v42+s2+$0x0] =	vst.idx.msk $0xffff, v1  }
0x1d: {  	v28 =	vadd.s32 v14, v34;
	[tilespmem:v43+s2+$0x0] =	vst.idx.msk $0xffff, v1  }
0x1e: {  	v29 =	vadd.s32 v15, v34;
	[tilespmem:v44+s2+$0x0] =	vst.idx.msk $0xffff, v1  }
0x1f: {  	v30 =	vadd.s32 v16, v34;
	[tilespmem:v25+s2+$0x0] =	vst.idx.msk $0xffff, v1  }
0x20: {  	v31 =	vadd.s32 v19, v34;
	[tilespmem:v26+s2+$0x0] =	vst.idx.msk $0xffff, v1  }
0x21: {  	v32 =	vadd.s32 v20, v34;
	[tilespmem:v27+s2+$0x0] =	vst.idx.msk $0xffff, v1  }
0x22: {  	v33 =	vadd.s32 v21, v34;
	[tilespmem:v28+s2+$0x0] =	vst.idx.msk $0xffff, v1  }
0x23: {  	v34 =	vadd.s32 v22, v34;
	[tilespmem:v29+s2+$0x0] =	vst.idx.msk $0xffff, v1  }
0x24: {  	[tilespmem:v30+s2+$0x0] =	vst.idx.msk $0xffff, v1  }
0x25: {  	[tilespmem:v31+s2+$0x0] =	vst.idx.msk $0xffff, v1  }
0x26: {  	[tilespmem:v32+s2+$0x0] =	vst.idx.msk $0xffff, v1  }
0x27: {  	[tilespmem:v33+s2+$0x0] =	vst.idx.msk $0xffff, v1  }
0x28: {  	[tilespmem:v34+s2+$0x0] =	vst.idx.msk $0xffff, v1  }
0x29: {  	[tilespmem:v35+s13+$0x0] =	vst.idx.msk $0xffff, v1  }
0x2a: {  	[tilespmem:v36+s13+$0x0] =	vst.idx.msk $0xffff, v1  }
0x2b: {  	[tilespmem:v37+s13+$0x0] =	vst.idx.msk $0xffff, v1  }
0x2c: {  	[tilespmem:v38+s13+$0x0] =	vst.idx.msk $0xffff, v1  }
0x2d: {  	[tilespmem:v39+s13+$0x0] =	vst.idx.msk $0xffff, v1  }
0x2e: {  	[tilespmem:v40+s13+$0x0] =	vst.idx.msk $0xffff, v1  }
0x2f: {  	[tilespmem:v41+s13+$0x0] =	vst.idx.msk $0xffff, v1  }
0x30: {  	[tilespmem:v42+s13+$0x0] =	vst.idx.msk $0xffff, v1  }
0x31: {  	[tilespmem:v43+s13+$0x0] =	vst.idx.msk $0xffff, v1  }
0x32: {  	s23 =	simm.s32 $0x1;
	[tilespmem:v44+s13+$0x0] =	vst.idx.msk $0xffff, v1  }
.LBB2_2:
0x33: {  	v35 =	vmov s23;
	p0 =	sne.s32 s23, $0x1F;
	s23 =	sadd.s32 $0x1, s23;
	[tilespmem:v25+s13+$0x0] =	vst.idx.msk $0xffff, v1  }
0x34: {  	v25 =	vmul.u32 $0x270, v35;
	[tilespmem:v26+s13+$0x0] =	vst.idx.msk $0xffff, v1  }
0x35: {  	[tilespmem:v27+s13+$0x0] =	vst.idx.msk $0xffff, v1  }
0x36: {  	v35 =	vbroadcast v25, $0x0;
	[tilespmem:v28+s13+$0x0] =	vst.idx.msk $0xffff, v1  }
0x37: {  	[tilespmem:v29+s13+$0x0] =	vst.idx.msk $0xffff, v1  }
0x38: {  	v36 =	vor.u32 v0, v35;
	[tilespmem:v30+s13+$0x0] =	vst.idx.msk $0xffff, v1  }
0x39: {  	v37 =	vadd.s32 v2, v35;
	[tilespmem:v31+s13+$0x0] =	vst.idx.msk $0xffff, v1  }
0x3a: {  	v38 =	vadd.s32 v3, v35;
	[tilespmem:v32+s13+$0x0] =	vst.idx.msk $0xffff, v1  }
0x3b: {  	v39 =	vadd.s32 v4, v35;
	[tilespmem:v33+s13+$0x0] =	vst.idx.msk $0xffff, v1  }
0x3c: {  	v40 =	vadd.s32 v5, v35;
	[tilespmem:v34+s13+$0x0] =	vst.idx.msk $0xffff, v1  }
0x3d: {  	v41 =	vadd.s32 v6, v35;
	[tilespmem:v36+s2+$0x0] =	vst.idx.msk $0xffff, v1  }
0x3e: {  	v42 =	vadd.s32 v7, v35;
	[tilespmem:v37+s2+$0x0] =	vst.idx.msk $0xffff, v1  }
0x3f: {  	v43 =	vadd.s32 v8, v35;
	[tilespmem:v38+s2+$0x0] =	vst.idx.msk $0xffff, v1  }
0x40: {  	v44 =	vadd.s32 v9, v35;
	[tilespmem:v39+s2+$0x0] =	vst.idx.msk $0xffff, v1  }
0x41: {  	v45 =	vadd.s32 v10, v35;
	[tilespmem:v40+s2+$0x0] =	vst.idx.msk $0xffff, v1  }
0x42: {  	v25 =	vadd.s32 v11, v35;
	[tilespmem:v41+s2+$0x0] =	vst.idx.msk $0xffff, v1  }
0x43: {  	v26 =	vadd.s32 v12, v35;
	[tilespmem:v42+s2+$0x0] =	vst.idx.msk $0xffff, v1  }
0x44: {  	v27 =	vadd.s32 v13, v35;
	[tilespmem:v43+s2+$0x0] =	vst.idx.msk $0xffff, v1  }
0x45: {  	v28 =	vadd.s32 v14, v35;
	[tilespmem:v44+s2+$0x0] =	vst.idx.msk $0xffff, v1  }
0x46: {  	v29 =	vadd.s32 v15, v35;
	[tilespmem:v45+s2+$0x0] =	vst.idx.msk $0xffff, v1  }
0x47: {  	v30 =	vadd.s32 v16, v35;
	[tilespmem:v25+s2+$0x0] =	vst.idx.msk $0xffff, v1  }
0x48: {  	v31 =	vadd.s32 v19, v35;
	[tilespmem:v26+s2+$0x0] =	vst.idx.msk $0xffff, v1  }
0x49: {  	v32 =	vadd.s32 v20, v35;
	[tilespmem:v27+s2+$0x0] =	vst.idx.msk $0xffff, v1  }
0x4a: {  	v33 =	vadd.s32 v21, v35;
	[tilespmem:v28+s2+$0x0] =	vst.idx.msk $0xffff, v1  }
0x4b: {  	v34 =	vadd.s32 v22, v35;
	[tilespmem:v29+s2+$0x0] =	vst.idx.msk $0xffff, v1  }
0x4c: {  	[tilespmem:v30+s2+$0x0] =	vst.idx.msk $0xffff, v1  }
0x4d: {  	[tilespmem:v31+s2+$0x0] =	vst.idx.msk $0xffff, v1  }
0x4e: {  	[tilespmem:v32+s2+$0x0] =	vst.idx.msk $0xffff, v1  }
0x4f: {  	[tilespmem:v33+s2+$0x0] =	vst.idx.msk $0xffff, v1  }
0x50: {  	[tilespmem:v34+s2+$0x0] =	vst.idx.msk $0xffff, v1  }
0x51: {  	[tilespmem:v36+s13+$0x0] =	vst.idx.msk $0xffff, v1  }
0x52: {  	[tilespmem:v37+s13+$0x0] =	vst.idx.msk $0xffff, v1  }
0x53: {  	[tilespmem:v38+s13+$0x0] =	vst.idx.msk $0xffff, v1  }
0x54: {  	[tilespmem:v39+s13+$0x0] =	vst.idx.msk $0xffff, v1  }
0x55: {  	[tilespmem:v40+s13+$0x0] =	vst.idx.msk $0xffff, v1  }
.Ltmp0:
0x56: {  	[tilespmem:v41+s13+$0x0] =	vst.idx.msk $0xffff, v1;
	(pc) =	sbr.rel @p0 .LBB2_2-.Ltmp0, $4  }
0x57: {  	[tilespmem:v42+s13+$0x0] =	vst.idx.msk $0xffff, v1  }
0x58: {  	[tilespmem:v43+s13+$0x0] =	vst.idx.msk $0xffff, v1  }
0x59: {  	[tilespmem:v44+s13+$0x0] =	vst.idx.msk $0xffff, v1  }
0x5a: {  	[tilespmem:v45+s13+$0x0] =	vst.idx.msk $0xffff, v1  }
0x5b: {  	_ =	sdelay $0x3  }
0x5c: {  	[tilespmem:v25+s13+$0x0] =	vst.idx.msk $0xffff, v1  }
0x5d: {  	[tilespmem:v26+s13+$0x0] =	vst.idx.msk $0xffff, v1  }
0x5e: {  	[tilespmem:v27+s13+$0x0] =	vst.idx.msk $0xffff, v1  }
0x5f: {  	[tilespmem:v28+s13+$0x0] =	vst.idx.msk $0xffff, v1  }
0x60: {  	[tilespmem:v29+s13+$0x0] =	vst.idx.msk $0xffff, v1  }
0x61: {  	[tilespmem:v30+s13+$0x0] =	vst.idx.msk $0xffff, v1  }
0x62: {  	[tilespmem:v31+s13+$0x0] =	vst.idx.msk $0xffff, v1  }
0x63: {  	[tilespmem:v32+s13+$0x0] =	vst.idx.msk $0xffff, v1  }
0x64: {  	s23 =	simm.s32 $0xA0;
	[tilespmem:v33+s13+$0x0] =	vst.idx.msk $0xffff, v1  }
0x65: {  	s24 =	simm.s32 $0x26;
	s26 =	sadd.s32 $0x0, s6;
	s25 =	simm.s32 $0x310;
	[tilespmem:v34+s13+$0x0] =	vst.idx.msk $0xffff, v1  }
.LBB2_4:
0x66: {  	[tilespmem:s23], [sflag:$0x1] =	stream.linear.gather [hbm4b:s26+s2], $0x130, $0x38;
	[tilespmem:$0xE850] =	vst v63  }
0x67: {  	s0 =	smov.u32 s24;
	s23 =	smov.u32 s25;
	p0 =	sne.s32 s24, $0x49A  }
.Ltmp1:
0x68: {  	s24 =	sadd.s32 $0x26, s24;
	(pc) =	sbr.rel @p0 .LBB2_4-.Ltmp1, $2  }
0x69: {  	_ =	sdelay $0x2  }
0x6a: {  	s25 =	sadd.s32 $0x270, s25;
	s26 =	sadd.s32 s0, s6  }
0x6b: {  	[tilespmem:s23], [sflag:$0x1] =	stream.linear.gather [hbm4b:s26+s2], $0x130, $0x38;
	[tilespmem:$0xE850] =	vst v63  }
0x6c: {  	s23 =	simm.s32 $0x0  }
0x6d: {  	[tilespmem:s14], [sflag:$0x1] =	stream.linear.gather [hbm4b:s7+s23], $0x2600, $0x38;
	[tilespmem:$0xE850] =	vst v63  }
0x6e: {  	_ = 	snop  }
0x6f: {  	v25 =	vimm.f32 $0.0e+00;
	[tilespmem:s15], [sflag:$0x1] =	stream.linear.gather [hbm4b:s8+s23], $0x20, $0x38;
	[tilespmem:$0xE850] =	vst v63  }
.LBB2_6:
0x70: {  	s24 =	sshll.u32 s23, $0x6  }
0x71: {  	s25 =	sor.u32 s12, s24  }
0x72: {  	s26 =	smul.u32 $0x26, s25;
	_ =	sdelay $0x1  }
0x73: {  	s29 =	simm.s32 $0x4EA0;
	s28 =	sadd.s32 s1, s26  }
0x74: {  	s30 =	simm.s32 $0x26;
	s31 =	simm.s32 $0x5110;
	s0 =	sadd.s32 $0x0, s28  }
.LBB2_7:
0x75: {  	[tilespmem:s29], [sflag:$0x2] =	stream.linear.gather [hbm4b:s0+s2], $0x130, $0x38;
	[tilespmem:$0xE850] =	vst v63  }
0x76: {  	s0 =	smov.u32 s30;
	s29 =	smov.u32 s31;
	p0 =	sne.s32 s30, $0x49A  }
.Ltmp2:
0x77: {  	s30 =	sadd.s32 $0x26, s30;
	(pc) =	sbr.rel @p0 .LBB2_7-.Ltmp2, $2  }
0x78: {  	_ =	sdelay $0x2  }
0x79: {  	s31 =	sadd.s32 $0x270, s31;
	s0 =	sadd.s32 s0, s28  }
0x7a: {  	[tilespmem:s29], [sflag:$0x2] =	stream.linear.gather [hbm4b:s0+s2], $0x130, $0x38;
	[tilespmem:$0xE850] =	vst v63  }
0x7b: {  	s0 =	sadd.s32 s4, s26;
	s26 =	simm.s32 $0x0;
	s25 =	sshrl.u32 s25, $0x3  }
0x7c: {  	[tilespmem:s16], [sflag:$0x2] =	stream.linear.gather [hbm4b:s0+s26], $0x2600, $0x38;
	[tilespmem:$0xE850] =	vst v63  }
0x7d: {  	s0 =	sadd.s32 s5, s25  }
0x7e: {  	[tilespmem:s17], [sflag:$0x2] =	stream.linear.gather [hbm4b:s0+s26], $0x20, $0x38;
	[tilespmem:$0xE850] =	vst v63  }
0x7f: {  	_ =	swait.ge [sflag:s18], $0x2600  }
0x80: {  	[sflag:s18] =	ssyncset.done $0x0  }
0x81: {  	[sflag:s18] =	ssyncadd.s32 $0xFFFFDA00  }
0x82: {  	_ =	swait.ge [sflag:s18], $0x2600  }
0x83: {  	[sflag:s18] =	ssyncset.done $0x0  }
0x84: {  	[sflag:s18] =	ssyncadd.s32 $0xFFFFDA00  }
0x85: {  	_ =	swait.ge [sflag:s18], $0x20  }
0x86: {  	[sflag:s18] =	ssyncset.done $0x0  }
0x87: {  	[sflag:s18] =	ssyncadd.s32 $0xFFFFFFE0  }
0x88: {  	v26 =	vld [tilespmem:$0xE800];
	_ =	sdelay $0x4  }
0x89: {  	v26 =	vadd.s32 $0xA0, v26  }
0x8a: {  	v27 =	vmov s26;
	v28 =	vadd.s32 s26, v26  }
0x8b: {  	v27 =	vand.u32 $0x1FE, v27;
	s26 =	simm.s32 $0x1;
	v28 =	vadd.s32 v17, v28  }
0x8c: {  	s25 =	simm.s32 $0x2;
	v27 =	vadd.s32 v18, v27;
	v29 =	vadd.s32 s26, v26  }
0x8d: {  	v31 =	vadd.s32 s25, v26;
	v30 =	vmov s26;
	v29 =	vadd.s32 v17, v29  }
0x8e: {  	v32 =	vmov s25;
	v31 =	vadd.s32 v17, v31;
	v30 =	vand.u32 $0x1FF, v30  }
0x8f: {  	v32 =	vand.u32 $0x3FE, v32;
	s26 =	simm.s32 $0x3;
	v30 =	vadd.s32 v18, v30  }
0x90: {  	v32 =	vadd.s32 v18, v32;
	s25 =	simm.s32 $0x4;
	v33 =	vadd.s32 s26, v26;
	v36 =	vld.idx.msk [tilespmem:v28+s2+$0x0], $0xffff;
	v28 =	vmov s26  }
0x91: {  	v39 =	vld.idx.msk [tilespmem:v27+s14+$0x0], $0xffff;
	v63 =	vadd.s32 s25, v26;
	v38 =	vadd.s32 v17, v33;
	v27 =	vand.u32 $0x3FF, v28  }
0x92: {  	v45 =	vadd.s32 v17, v63;
	v28 =	vld.idx.msk [tilespmem:v29+s2+$0x0], $0xffff;
	v40 =	vadd.s32 v18, v27;
	v27 =	vmov s25  }
0x93: {  	s26 =	simm.s32 $0x5;
	v29 =	vld.idx.msk [tilespmem:v31+s2+$0x0], $0xffff;
	v27 =	vand.u32 $0x3FE, v27  }
0x94: {  	v31 =	vmov s26;
	v34 =	vadd.s32 s26, v26;
	v30 =	vld.idx.msk [tilespmem:v30+s14+$0x0], $0xffff;
	v35 =	vadd.s32 v18, v27  }
0x95: {  	v37 =	vimm.f32 $0.0e+00;
	s28 =	simm.s32 $0x9;
	s31 =	simm.s32 $0x7;
	v33 =	vld.idx.msk [tilespmem:v32+s14+$0x0], $0xffff;
	v34 =	vadd.s32 v17, v34;
	v27 =	vand.u32 $0x3FF, v31  }
0x96: {  	v43 =	vadd.s32 s31, v26;
	v32 =	vadd.s32 s28, v26;
	s25 =	simm.s32 $0x6;
	v31 =	vld.idx.msk [tilespmem:v38+s2+$0x0], $0xffff;
	v38 =	vadd.s32 v18, v27  }
0x97: {  	s30 =	simm.s32 $0x8;
	s26 =	simm.s32 $0xA;
	v42 =	vmov s25;
	v41 =	vadd.s32 s25, v26;
	v44 =	vmul.f32 v39, v36;
	v36 =	vld.idx.msk [tilespmem:v45+s2+$0x0], $0xffff  }
0x98: {  	s29 =	simm.s32 $0xC;
	v27 =	vadd.s32 s26, v26;
	v39 =	vld.idx.msk [tilespmem:v40+s14+$0x0], $0xffff;
	v40 =	vadd.s32 v17, v41;
	v41 =	vadd.s32 s30, v26  }
.LBB2_9:
0x99: {  	p0 =	slt.u32 s29, $0x126;
	v42 =	vand.u32 $0x1FE, v42;
	v37 =	vadd.f32 v44, v37;
	v28 =	vmul.f32 v30, v28;
	v30 =	vld.idx.msk [tilespmem:v35+s14+$0x0], $0xffff  }
0x9a: {  	v43 =	vadd.s32 v17, v43;
	v35 =	vadd.s32 v18, v42;
	v42 =	vmov s31;
	v34 =	vld.idx.msk [tilespmem:v34+s2+$0x0], $0xffff  }
0x9b: {  	v29 =	vmul.f32 v33, v29;
	v42 =	vand.u32 $0x1FF, v42;
	v28 =	vadd.f32 v28, v37;
	v33 =	vld.idx.msk [tilespmem:v38+s14+$0x0], $0xffff  }
0x9c: {  	v41 =	vadd.s32 v17, v41;
	v38 =	vmov s30;
	v37 =	vadd.s32 v18, v42  }
0x9d: {  	v38 =	vand.u32 $0x3FE, v38;
	v28 =	vadd.f32 v29, v28;
	v29 =	vmul.f32 v39, v31  }
0x9e: {  	v32 =	vadd.s32 v17, v32;
	v31 =	vadd.s32 v18, v38;
	v38 =	vmov s28;
	v39 =	vld.idx.msk [tilespmem:v40+s2+$0x0], $0xffff  }
0x9f: {  	v36 =	vmul.f32 v30, v36;
	v40 =	vld.idx.msk [tilespmem:v35+s14+$0x0], $0xffff;
	v35 =	vand.u32 $0x3FF, v38;
	v29 =	vadd.f32 v29, v28  }
0xa0: {  	v45 =	vadd.s32 v17, v27;
	v28 =	vld.idx.msk [tilespmem:v43+s2+$0x0], $0xffff;
	v43 =	vadd.s32 v18, v35;
	v35 =	vmov s26  }
0xa1: {  	s0 =	sadd.s32 $0x5, s25;
	s25 =	smov.u32 s29;
	v30 =	vld.idx.msk [tilespmem:v37+s14+$0x0], $0xffff;
	v27 =	vand.u32 $0x3FE, v35;
	v36 =	vadd.f32 v36, v29;
	v37 =	vmul.f32 v33, v34  }
.Ltmp3:
0xa2: {  	v34 =	vadd.s32 s0, v26;
	v29 =	vld.idx.msk [tilespmem:v41+s2+$0x0], $0xffff;
	v35 =	vadd.s32 v18, v27;
	v27 =	vmov s0;
	(pc) =	sbr.rel @p0 .LBB2_9-.Ltmp3, $4  }
0xa3: {  	v34 =	vadd.s32 v17, v34;
	v33 =	vld.idx.msk [tilespmem:v31+s14+$0x0], $0xffff;
	v27 =	vand.u32 $0x3FF, v27;
	v37 =	vadd.f32 v37, v36  }
0xa4: {  	v42 =	vmov s29;
	s28 =	sadd.s32 $0x3, s29;
	s26 =	sadd.s32 $0x4, s29;
	v36 =	vadd.s32 s29, v26;
	v31 =	vld.idx.msk [tilespmem:v32+s2+$0x0], $0xffff;
	v38 =	vadd.s32 v18, v27  }
0xa5: {  	s31 =	sadd.s32 $0x1, s29;
	s30 =	sadd.s32 $0x2, s29;
	v32 =	vadd.s32 s28, v26;
	v27 =	vadd.s32 s26, v26;
	v44 =	vmul.f32 v40, v39;
	v39 =	vld.idx.msk [tilespmem:v43+s14+$0x0], $0xffff  }
0xa6: {  	v41 =	vadd.s32 s30, v26;
	s29 =	sadd.s32 $0x6, s29;
	v40 =	vadd.s32 v17, v36;
	v43 =	vadd.s32 s31, v26;
	v36 =	vld.idx.msk [tilespmem:v45+s2+$0x0], $0xffff  }
0xa7: {  	_ =	sdelay $0x1  }
0xa8: {  	v42 =	vand.u32 $0x1FE, v42;
	v37 =	vadd.f32 v44, v37  }
0xa9: {  	v28 =	vmul.f32 v30, v28;
	v56 =	vmov s31;
	v30 =	vadd.s32 v18, v42  }
0xaa: {  	v43 =	vadd.s32 v17, v43;
	v35 =	vld.idx.msk [tilespmem:v35+s14+$0x0], $0xffff;
	v59 =	vmov s30;
	v42 =	vand.u32 $0x1FF, v56  }
0xab: {  	v57 =	vld.idx.msk [tilespmem:v34+s2+$0x0], $0xffff;
	v29 =	vmul.f32 v33, v29;
	v28 =	vadd.f32 v28, v37;
	v58 =	vadd.s32 v18, v42  }
0xac: {  	v38 =	vld.idx.msk [tilespmem:v38+s14+$0x0], $0xffff;
	v41 =	vadd.s32 v17, v41;
	v60 =	vmov s28;
	v37 =	vand.u32 $0x3FE, v59  }
0xad: {  	v37 =	vadd.s32 v18, v37;
	v28 =	vadd.f32 v29, v28;
	v29 =	vmul.f32 v39, v31;
	v31 =	vld.idx.msk [tilespmem:v40+s2+$0x0], $0xffff  }
0xae: {  	v32 =	vadd.s32 v17, v32;
	v39 =	vand.u32 $0x3FF, v60;
	v30 =	vld.idx.msk [tilespmem:v30+s14+$0x0], $0xffff  }
0xaf: {  	v61 =	vld.idx.msk [tilespmem:v43+s2+$0x0], $0xffff;
	v62 =	vadd.s32 v18, v39;
	v28 =	vadd.f32 v29, v28;
	v29 =	vmul.f32 v35, v36  }
0xb0: {  	v34 =	vld.idx.msk [tilespmem:v58+s14+$0x0], $0xffff  }
0xb1: {  	v42 =	vld.idx.msk [tilespmem:v41+s2+$0x0], $0xffff;
	v28 =	vadd.f32 v29, v28;
	v29 =	vmul.f32 v38, v57  }
0xb2: {  	v63 =	vmov s26;
	v27 =	vadd.s32 v17, v27;
	v37 =	vld.idx.msk [tilespmem:v37+s14+$0x0], $0xffff  }
0xb3: {  	s0 =	sadd.s32 $0x5, s25;
	v39 =	vand.u32 $0x3FE, v63;
	v28 =	vadd.f32 v29, v28;
	v29 =	vld.idx.msk [tilespmem:v32+s2+$0x0], $0xffff;
	v30 =	vmul.f32 v30, v31  }
0xb4: {  	v43 =	vadd.s32 v18, v39;
	v44 =	vld.idx.msk [tilespmem:v62+s14+$0x0], $0xffff;
	v31 =	vmov s0  }
0xb5: {  	v45 =	vld [tilespmem:$0xE810];
	v31 =	vand.u32 $0x3FF, v31;
	v28 =	vadd.f32 v30, v28;
	v30 =	vmul.f32 v34, v61  }
0xb6: {  	v26 =	vadd.s32 s0, v26;
	v31 =	vadd.s32 v18, v31  }
0xb7: {  	v26 =	vadd.s32 v17, v26;
	v46 =	vld.idx.msk [tilespmem:v27+s2+$0x0], $0xffff;
	v27 =	vadd.f32 v30, v28;
	v28 =	vmul.f32 v37, v42;
	_ =	sdelay $0x1  }
0xb8: {  	v47 =	vld.idx.msk [tilespmem:v43+s14+$0x0], $0xffff;
	v29 =	vmul.f32 v44, v29;
	v28 =	vadd.f32 v28, v27  }
0xb9: {  	s25 =	simm.s32 $0x0;
	v27 =	vadd.s32 $0xA0, v45  }
0xba: {  	s26 =	simm.s32 $0x1;
	v30 =	vld.idx.msk [tilespmem:v31+s14+$0x0], $0xffff;
	v31 =	vadd.s32 s25, v27;
	v28 =	vadd.f32 v29, v28;
	v29 =	vmov s25  }
0xbb: {  	v50 =	vmov s26;
	v26 =	vld.idx.msk [tilespmem:v26+s2+$0x0], $0xffff;
	v31 =	vadd.s32 v23, v31;
	v29 =	vand.u32 $0x1FE, v29  }
0xbc: {  	v52 =	vand.u32 $0x1FF, v50;
	v49 =	vadd.s32 s26, v27;
	v29 =	vadd.s32 v24, v29  }
0xbd: {  	v33 =	vadd.s32 v24, v52;
	v48 =	vmul.f32 v47, v46;
	s26 =	simm.s32 $0x3;
	s25 =	simm.s32 $0x2;
	v51 =	vadd.s32 v23, v49  }
0xbe: {  	v56 =	vadd.s32 s26, v27;
	v53 =	vadd.s32 s25, v27;
	v54 =	vmov s25  }
0xbf: {  	v35 =	vadd.s32 v23, v56;
	v28 =	vadd.f32 v48, v28;
	v55 =	vand.u32 $0x3FE, v54  }
0xc0: {  	s25 =	simm.s32 $0x4;
	v34 =	vadd.s32 v24, v55;
	v26 =	vmul.f32 v30, v26;
	v57 =	vld.idx.msk [tilespmem:v31+s2+$0x0], $0xffff;
	v31 =	vmov s26  }
0xc1: {  	v60 =	vmov s25;
	v30 =	vadd.s32 v23, v53;
	v31 =	vand.u32 $0x3FF, v31;
	v58 =	vld.idx.msk [tilespmem:v29+s14+$0x0], $0xffff  }
0xc2: {  	v26 =	vadd.f32 v26, v28;
	v28 =	vadd.s32 s25, v27;
	v29 =	vld.idx.msk [tilespmem:v51+s2+$0x0], $0xffff;
	v59 =	vadd.s32 v24, v31  }
0xc3: {  	s26 =	simm.s32 $0x5;
	v46 =	vadd.s32 v23, v28;
	v31 =	vld.idx.msk [tilespmem:v33+s14+$0x0], $0xffff;
	v28 =	vand.u32 $0x3FE, v60  }
0xc4: {  	v61 =	vmov s26;
	v62 =	vadd.s32 s26, v27;
	v33 =	vld.idx.msk [tilespmem:v35+s2+$0x0], $0xffff;
	v37 =	vadd.s32 v24, v28  }
0xc5: {  	s31 =	simm.s32 $0x7;
	s30 =	simm.s32 $0x8;
	v38 =	vimm.f32 $0.0e+00;
	v36 =	vadd.s32 v23, v62;
	v32 =	vld.idx.msk [tilespmem:v34+s14+$0x0], $0xffff;
	v28 =	vand.u32 $0x3FF, v61  }
0xc6: {  	v44 =	vadd.s32 s31, v27;
	v42 =	vadd.s32 s30, v27;
	s25 =	simm.s32 $0x6;
	v30 =	vld.idx.msk [tilespmem:v30+s2+$0x0], $0xffff;
	v41 =	vadd.s32 v24, v28  }
0xc7: {  	s28 =	simm.s32 $0x9;
	s26 =	simm.s32 $0xA;
	v43 =	vmov s25;
	v63 =	vadd.s32 s25, v27;
	v45 =	vmul.f32 v58, v57;
	v39 =	vld.idx.msk [tilespmem:v59+s14+$0x0], $0xffff  }
0xc8: {  	s29 =	simm.s32 $0xC;
	v34 =	vadd.s32 s28, v27;
	v40 =	vadd.s32 v23, v63;
	v28 =	vadd.s32 s26, v27;
	v35 =	vld.idx.msk [tilespmem:v46+s2+$0x0], $0xffff  }
.LBB2_11:
0xc9: {  	p0 =	slt.u32 s29, $0x126;
	v43 =	vand.u32 $0x1FE, v43;
	v38 =	vadd.f32 v45, v38;
	v29 =	vmul.f32 v31, v29;
	v31 =	vld.idx.msk [tilespmem:v37+s14+$0x0], $0xffff  }
0xca: {  	v44 =	vadd.s32 v23, v44;
	v37 =	vadd.s32 v24, v43;
	v43 =	vmov s31;
	v36 =	vld.idx.msk [tilespmem:v36+s2+$0x0], $0xffff  }
0xcb: {  	v30 =	vmul.f32 v32, v30;
	v43 =	vand.u32 $0x1FF, v43;
	v29 =	vadd.f32 v29, v38;
	v32 =	vld.idx.msk [tilespmem:v41+s14+$0x0], $0xffff  }
0xcc: {  	v42 =	vadd.s32 v23, v42;
	v41 =	vmov s30;
	v38 =	vadd.s32 v24, v43  }
0xcd: {  	v41 =	vand.u32 $0x3FE, v41;
	v29 =	vadd.f32 v30, v29;
	v30 =	vmul.f32 v39, v33  }
0xce: {  	v34 =	vadd.s32 v23, v34;
	v33 =	vadd.s32 v24, v41;
	v39 =	vld.idx.msk [tilespmem:v40+s2+$0x0], $0xffff;
	v40 =	vmov s28  }
0xcf: {  	v35 =	vmul.f32 v31, v35;
	v45 =	vld.idx.msk [tilespmem:v37+s14+$0x0], $0xffff;
	v37 =	vand.u32 $0x3FF, v40;
	v30 =	vadd.f32 v30, v29  }
0xd0: {  	v46 =	vadd.s32 v23, v28;
	v29 =	vld.idx.msk [tilespmem:v44+s2+$0x0], $0xffff;
	v40 =	vadd.s32 v24, v37;
	v37 =	vmov s26  }
0xd1: {  	s0 =	sadd.s32 $0x5, s25;
	s25 =	smov.u32 s29;
	v31 =	vld.idx.msk [tilespmem:v38+s14+$0x0], $0xffff;
	v28 =	vand.u32 $0x3FE, v37;
	v35 =	vadd.f32 v35, v30;
	v38 =	vmul.f32 v32, v36  }
.Ltmp4:
0xd2: {  	v36 =	vadd.s32 s0, v27;
	v30 =	vld.idx.msk [tilespmem:v42+s2+$0x0], $0xffff;
	v37 =	vadd.s32 v24, v28;
	v28 =	vmov s0;
	(pc) =	sbr.rel @p0 .LBB2_11-.Ltmp4, $4  }
0xd3: {  	v36 =	vadd.s32 v23, v36;
	v32 =	vld.idx.msk [tilespmem:v33+s14+$0x0], $0xffff;
	v28 =	vand.u32 $0x3FF, v28;
	v38 =	vadd.f32 v38, v35  }
0xd4: {  	v43 =	vmov s29;
	s28 =	sadd.s32 $0x3, s29;
	s26 =	sadd.s32 $0x4, s29;
	v35 =	vadd.s32 s29, v27;
	v33 =	vld.idx.msk [tilespmem:v34+s2+$0x0], $0xffff;
	v41 =	vadd.s32 v24, v28  }
0xd5: {  	s31 =	sadd.s32 $0x1, s29;
	s30 =	sadd.s32 $0x2, s29;
	v34 =	vadd.s32 s28, v27;
	v28 =	vadd.s32 s26, v27;
	v45 =	vmul.f32 v45, v39;
	v39 =	vld.idx.msk [tilespmem:v40+s14+$0x0], $0xffff  }
0xd6: {  	v44 =	vadd.s32 s31, v27;
	v42 =	vadd.s32 s30, v27;
	s29 =	sadd.s32 $0x6, s29;
	v40 =	vadd.s32 v23, v35;
	v35 =	vld.idx.msk [tilespmem:v46+s2+$0x0], $0xffff  }
0xd7: {  	_ =	sdelay $0x2  }
0xd8: {  	v43 =	vand.u32 $0x1FE, v43;
	v38 =	vadd.f32 v45, v38;
	v29 =	vmul.f32 v31, v29  }
0xd9: {  	v31 =	vld.idx.msk [tilespmem:v37+s14+$0x0], $0xffff;
	v49 =	vmov s31;
	v44 =	vadd.s32 v23, v44;
	v48 =	vadd.s32 v24, v43  }
0xda: {  	v36 =	vld.idx.msk [tilespmem:v36+s2+$0x0], $0xffff;
	v52 =	vmov s30;
	v55 =	vmov s28;
	v43 =	vand.u32 $0x1FF, v49  }
0xdb: {  	v50 =	vld.idx.msk [tilespmem:v41+s14+$0x0], $0xffff;
	v30 =	vmul.f32 v32, v30;
	v29 =	vadd.f32 v29, v38;
	v51 =	vadd.s32 v24, v43  }
0xdc: {  	v42 =	vadd.s32 v23, v42;
	v53 =	vld.idx.msk [tilespmem:v40+s2+$0x0], $0xffff;
	v41 =	vand.u32 $0x3FE, v52;
	v40 =	vand.u32 $0x3FF, v55  }
0xdd: {  	v54 =	vadd.s32 v24, v41;
	v29 =	vadd.f32 v30, v29;
	v30 =	vmul.f32 v39, v33  }
0xde: {  	v34 =	vadd.s32 v23, v34;
	v57 =	vmov s26;
	v56 =	vadd.s32 v24, v40;
	v37 =	vld.idx.msk [tilespmem:v48+s14+$0x0], $0xffff  }
0xdf: {  	v28 =	vadd.s32 v23, v28;
	s0 =	sadd.s32 $0x5, s25;
	v29 =	vadd.f32 v30, v29;
	v30 =	vmul.f32 v31, v35;
	v31 =	vld.idx.msk [tilespmem:v44+s2+$0x0], $0xffff  }
0xe0: {  	v60 =	vmov s0;
	v27 =	vadd.s32 s0, v27;
	v40 =	vand.u32 $0x3FE, v57;
	v38 =	vld.idx.msk [tilespmem:v51+s14+$0x0], $0xffff  }
0xe1: {  	v59 =	vadd.s32 v24, v40;
	v58 =	vld.idx.msk [tilespmem:v42+s2+$0x0], $0xffff;
	v29 =	vadd.f32 v30, v29;
	v30 =	vmul.f32 v50, v36  }
0xe2: {  	v27 =	vadd.s32 v23, v27;
	v40 =	vand.u32 $0x3FF, v60;
	v39 =	vld.idx.msk [tilespmem:v54+s14+$0x0], $0xffff  }
0xe3: {  	v61 =	vadd.s32 v24, v40;
	v35 =	vld.idx.msk [tilespmem:v56+s14+$0x0], $0xffff;
	v29 =	vadd.f32 v30, v29;
	v33 =	vmul.f32 v37, v53  }
0xe4: {  	v30 =	vld.idx.msk [tilespmem:v34+s2+$0x0], $0xffff  }
0xe5: {  	v28 =	vld.idx.msk [tilespmem:v28+s2+$0x0], $0xffff;
	v31 =	vmul.f32 v38, v31;
	v29 =	vadd.f32 v33, v29  }
0xe6: {  	v62 =	vld.idx.msk [tilespmem:v59+s14+$0x0], $0xffff  }
0xe7: {  	v27 =	vld.idx.msk [tilespmem:v27+s2+$0x0], $0xffff;
	v29 =	vadd.f32 v31, v29;
	v31 =	vmul.f32 v39, v58  }
0xe8: {  	v63 =	vld.idx.msk [tilespmem:v61+s14+$0x0], $0xffff  }
0xe9: {  	v30 =	vmul.f32 v35, v30;
	v29 =	vadd.f32 v31, v29  }
0xea: {  	p0 =	seq.s32 s23, $0x7  }
.Ltmp5:
0xeb: {  	v28 =	vmul.f32 v62, v28;
	v29 =	vadd.f32 v30, v29;
	(pc) =	sbr.rel @p0 .LBB2_16-.Ltmp5, $3  }
0xec: {  	_ = 	snop  }
0xed: {  	v27 =	vmul.f32 v63, v27;
	v28 =	vadd.f32 v28, v29;
	_ =	sdelay $0x1  }
0xee: {  	v28 =	vadd.f32 v27, v28  }
0xef: {  	s24 =	sadd.s32 s24, s9  }
0xf0: {  	s25 =	smul.u32 $0x26, s24;
	_ =	sdelay $0x1  }
0xf1: {  	s28 =	simm.s32 $0xA0;
	s26 =	sadd.s32 s1, s25  }
0xf2: {  	s29 =	simm.s32 $0x26;
	s30 =	simm.s32 $0x310;
	s0 =	sadd.s32 $0x0, s26  }
.LBB2_14:
0xf3: {  	[tilespmem:s28], [sflag:$0x1] =	stream.linear.gather [hbm4b:s0+s2], $0x130, $0x38;
	[tilespmem:$0xE850] =	vst v63  }
0xf4: {  	s0 =	smov.u32 s29;
	s28 =	smov.u32 s30;
	p0 =	sne.s32 s29, $0x49A  }
.Ltmp6:
0xf5: {  	s29 =	sadd.s32 $0x26, s29;
	(pc) =	sbr.rel @p0 .LBB2_14-.Ltmp6, $2  }
0xf6: {  	_ =	sdelay $0x2  }
0xf7: {  	s30 =	sadd.s32 $0x270, s30;
	s0 =	sadd.s32 s0, s26  }
0xf8: {  	[tilespmem:s28], [sflag:$0x1] =	stream.linear.gather [hbm4b:s0+s2], $0x130, $0x38;
	[tilespmem:$0xE850] =	vst v63  }
0xf9: {  	s30 =	sadd.s32 s4, s25;
	s31 =	sshrl.u32 s24, $0x3  }
0xfa: {  	[tilespmem:s14], [sflag:$0x1] =	stream.linear.gather [hbm4b:s30+s2], $0x2600, $0x38;
	[tilespmem:$0xE850] =	vst v63  }
0xfb: {  	s0 =	sadd.s32 s5, s31  }
0xfc: {  	[tilespmem:s15], [sflag:$0x1] =	stream.linear.gather [hbm4b:s0+s2], $0x20, $0x38;
	[tilespmem:$0xE850] =	vst v63  }
.LBB2_16:
0xfd: {  	_ =	swait.ge [sflag:s19], $0x2600  }
0xfe: {  	[sflag:s19] =	ssyncset.done $0x0  }
0xff: {  	[sflag:s19] =	ssyncadd.s32 $0xFFFFDA00  }
0x100: {  	_ =	swait.ge [sflag:s19], $0x2600  }
0x101: {  	[sflag:s19] =	ssyncset.done $0x0  }
0x102: {  	[sflag:s19] =	ssyncadd.s32 $0xFFFFDA00  }
0x103: {  	_ =	swait.ge [sflag:s19], $0x20  }
0x104: {  	[sflag:s19] =	ssyncset.done $0x0  }
0x105: {  	[sflag:s19] =	ssyncadd.s32 $0xFFFFFFE0  }
0x106: {  	v27 =	vld [tilespmem:$0xE820];
	_ =	sdelay $0x4  }
0x107: {  	s0 =	simm.s32 $0x0;
	v27 =	vadd.s32 $0xA0, v27  }
0x108: {  	v29 =	vmov s0;
	v30 =	vadd.s32 s0, v27  }
0x109: {  	s31 =	simm.s32 $0x1;
	v29 =	vand.u32 $0x1FE, v29;
	v30 =	vadd.s32 v17, v30  }
0x10a: {  	v32 =	vmov s31;
	v29 =	vadd.s32 v18, v29;
	v31 =	vadd.s32 s31, v27  }
0x10b: {  	s24 =	simm.s32 $0x2;
	v32 =	vand.u32 $0x1FF, v32;
	v31 =	vadd.s32 v17, v31  }
0x10c: {  	v34 =	vmov s24;
	v32 =	vadd.s32 v18, v32;
	v33 =	vadd.s32 s24, v27  }
0x10d: {  	v25 =	vadd.f32 v26, v25;
	s25 =	simm.s32 $0x3;
	v61 =	vand.u32 $0x3FE, v34;
	v26 =	vadd.s32 v17, v33  }
0x10e: {  	v62 =	vadd.s32 s25, v27;
	v33 =	vadd.s32 v18, v61;
	v36 =	vld.idx.msk [tilespmem:v30+s13+$0x0], $0xffff;
	v30 =	vmov s25  }
0x10f: {  	s26 =	simm.s32 $0x4;
	v25 =	vadd.f32 v28, v25;
	v39 =	vld.idx.msk [tilespmem:v29+s16+$0x0], $0xffff;
	v38 =	vadd.s32 v17, v62;
	v29 =	vand.u32 $0x3FF, v30  }
0x110: {  	v28 =	vld.idx.msk [tilespmem:v31+s13+$0x0], $0xffff;
	v30 =	vadd.s32 s26, v27;
	v40 =	vadd.s32 v18, v29;
	v29 =	vmov s26  }
0x111: {  	s31 =	simm.s32 $0x5;
	v45 =	vadd.s32 v17, v30;
	v30 =	vld.idx.msk [tilespmem:v32+s16+$0x0], $0xffff;
	v31 =	vand.u32 $0x3FE, v29  }
0x112: {  	v63 =	vadd.s32 s31, v27;
	v29 =	vld.idx.msk [tilespmem:v26+s13+$0x0], $0xffff;
	v26 =	vmov s31;
	v35 =	vadd.s32 v18, v31  }
0x113: {  	v37 =	vimm.f32 $0.0e+00;
	s30 =	simm.s32 $0x7;
	s24 =	simm.s32 $0x6;
	v34 =	vadd.s32 v17, v63;
	v33 =	vld.idx.msk [tilespmem:v33+s16+$0x0], $0xffff;
	v26 =	vand.u32 $0x3FF, v26  }
0x114: {  	v43 =	vadd.s32 s30, v27;
	v42 =	vmov s24;
	s26 =	simm.s32 $0x9;
	v31 =	vld.idx.msk [tilespmem:v38+s13+$0x0], $0xffff;
	v38 =	vadd.s32 v18, v26  }
0x115: {  	s29 =	simm.s32 $0x8;
	v41 =	vadd.s32 s24, v27;
	s25 =	simm.s32 $0xA;
	v32 =	vadd.s32 s26, v27;
	v44 =	vmul.f32 v39, v36;
	v39 =	vld.idx.msk [tilespmem:v40+s16+$0x0], $0xffff  }
0x116: {  	s28 =	simm.s32 $0xC;
	v26 =	vadd.s32 s25, v27;
	v40 =	vadd.s32 v17, v41;
	v41 =	vadd.s32 s29, v27;
	v36 =	vld.idx.msk [tilespmem:v45+s13+$0x0], $0xffff  }
.LBB2_17:
0x117: {  	p0 =	slt.u32 s28, $0x126;
	v42 =	vand.u32 $0x1FE, v42;
	v37 =	vadd.f32 v44, v37;
	v28 =	vmul.f32 v30, v28;
	v30 =	vld.idx.msk [tilespmem:v35+s16+$0x0], $0xffff  }
0x118: {  	v43 =	vadd.s32 v17, v43;
	v35 =	vadd.s32 v18, v42;
	v42 =	vmov s30;
	v34 =	vld.idx.msk [tilespmem:v34+s13+$0x0], $0xffff  }
0x119: {  	v29 =	vmul.f32 v33, v29;
	v42 =	vand.u32 $0x1FF, v42;
	v28 =	vadd.f32 v28, v37;
	v33 =	vld.idx.msk [tilespmem:v38+s16+$0x0], $0xffff  }
0x11a: {  	v41 =	vadd.s32 v17, v41;
	v38 =	vmov s29;
	v37 =	vadd.s32 v18, v42  }
0x11b: {  	v38 =	vand.u32 $0x3FE, v38;
	v28 =	vadd.f32 v29, v28;
	v29 =	vmul.f32 v39, v31  }
0x11c: {  	v32 =	vadd.s32 v17, v32;
	v31 =	vadd.s32 v18, v38;
	v38 =	vmov s26;
	v39 =	vld.idx.msk [tilespmem:v40+s13+$0x0], $0xffff  }
0x11d: {  	v36 =	vmul.f32 v30, v36;
	v40 =	vld.idx.msk [tilespmem:v35+s16+$0x0], $0xffff;
	v35 =	vand.u32 $0x3FF, v38;
	v29 =	vadd.f32 v29, v28  }
0x11e: {  	v45 =	vadd.s32 v17, v26;
	v28 =	vld.idx.msk [tilespmem:v43+s13+$0x0], $0xffff;
	v43 =	vadd.s32 v18, v35;
	v35 =	vmov s25  }
0x11f: {  	s0 =	sadd.s32 $0x5, s24;
	s24 =	smov.u32 s28;
	v30 =	vld.idx.msk [tilespmem:v37+s16+$0x0], $0xffff;
	v26 =	vand.u32 $0x3FE, v35;
	v36 =	vadd.f32 v36, v29;
	v37 =	vmul.f32 v33, v34  }
.Ltmp7:
0x120: {  	v34 =	vadd.s32 s0, v27;
	v29 =	vld.idx.msk [tilespmem:v41+s13+$0x0], $0xffff;
	v35 =	vadd.s32 v18, v26;
	v26 =	vmov s0;
	(pc) =	sbr.rel @p0 .LBB2_17-.Ltmp7, $4  }
0x121: {  	v34 =	vadd.s32 v17, v34;
	v33 =	vld.idx.msk [tilespmem:v31+s16+$0x0], $0xffff;
	v26 =	vand.u32 $0x3FF, v26;
	v37 =	vadd.f32 v37, v36  }
0x122: {  	v42 =	vmov s28;
	s26 =	sadd.s32 $0x3, s28;
	s25 =	sadd.s32 $0x4, s28;
	v36 =	vadd.s32 s28, v27;
	v31 =	vld.idx.msk [tilespmem:v32+s13+$0x0], $0xffff;
	v38 =	vadd.s32 v18, v26  }
0x123: {  	s30 =	sadd.s32 $0x1, s28;
	s29 =	sadd.s32 $0x2, s28;
	v32 =	vadd.s32 s26, v27;
	v26 =	vadd.s32 s25, v27;
	v44 =	vmul.f32 v40, v39;
	v39 =	vld.idx.msk [tilespmem:v43+s16+$0x0], $0xffff  }
0x124: {  	v41 =	vadd.s32 s29, v27;
	s28 =	sadd.s32 $0x6, s28;
	v40 =	vadd.s32 v17, v36;
	v43 =	vadd.s32 s30, v27;
	v36 =	vld.idx.msk [tilespmem:v45+s13+$0x0], $0xffff  }
0x125: {  	_ =	sdelay $0x2  }
0x126: {  	v42 =	vand.u32 $0x1FE, v42;
	v37 =	vadd.f32 v44, v37  }
0x127: {  	v28 =	vmul.f32 v30, v28;
	v56 =	vmov s30;
	v35 =	vld.idx.msk [tilespmem:v35+s16+$0x0], $0xffff;
	v30 =	vadd.s32 v18, v42  }
0x128: {  	v43 =	vadd.s32 v17, v43;
	v57 =	vld.idx.msk [tilespmem:v34+s13+$0x0], $0xffff;
	v59 =	vmov s29;
	v42 =	vand.u32 $0x1FF, v56  }
0x129: {  	v38 =	vld.idx.msk [tilespmem:v38+s16+$0x0], $0xffff;
	v29 =	vmul.f32 v33, v29;
	v28 =	vadd.f32 v28, v37;
	v58 =	vadd.s32 v18, v42  }
0x12a: {  	v41 =	vadd.s32 v17, v41;
	v60 =	vmov s26;
	v45 =	vld [tilespmem:$0xE830];
	v37 =	vand.u32 $0x3FE, v59  }
0x12b: {  	v37 =	vadd.s32 v18, v37;
	v28 =	vadd.f32 v29, v28;
	v29 =	vmul.f32 v39, v31;
	v31 =	vld.idx.msk [tilespmem:v40+s13+$0x0], $0xffff  }
0x12c: {  	v32 =	vadd.s32 v17, v32;
	v39 =	vand.u32 $0x3FF, v60;
	v30 =	vld.idx.msk [tilespmem:v30+s16+$0x0], $0xffff  }
0x12d: {  	v61 =	vld.idx.msk [tilespmem:v43+s13+$0x0], $0xffff;
	v62 =	vadd.s32 v18, v39;
	v28 =	vadd.f32 v29, v28;
	v29 =	vmul.f32 v35, v36  }
0x12e: {  	v34 =	vld.idx.msk [tilespmem:v58+s16+$0x0], $0xffff  }
0x12f: {  	v63 =	vmov s25;
	v42 =	vld.idx.msk [tilespmem:v41+s13+$0x0], $0xffff;
	v28 =	vadd.f32 v29, v28;
	v29 =	vmul.f32 v38, v57  }
0x130: {  	v26 =	vadd.s32 v17, v26;
	s0 =	sadd.s32 $0x5, s24;
	v39 =	vand.u32 $0x3FE, v63;
	v37 =	vld.idx.msk [tilespmem:v37+s16+$0x0], $0xffff  }
0x131: {  	v28 =	vadd.f32 v29, v28;
	v29 =	vld.idx.msk [tilespmem:v32+s13+$0x0], $0xffff;
	v30 =	vmul.f32 v30, v31;
	v31 =	vmov s0  }
0x132: {  	v27 =	vadd.s32 s0, v27;
	v43 =	vadd.s32 v18, v39;
	v44 =	vld.idx.msk [tilespmem:v62+s16+$0x0], $0xffff;
	v31 =	vand.u32 $0x3FF, v31  }
0x133: {  	v28 =	vadd.f32 v30, v28;
	v30 =	vmul.f32 v34, v61;
	v31 =	vadd.s32 v18, v31  }
0x134: {  	v27 =	vadd.s32 v17, v27  }
0x135: {  	s24 =	simm.s32 $0x2;
	v46 =	vld.idx.msk [tilespmem:v26+s13+$0x0], $0xffff;
	v26 =	vadd.f32 v30, v28;
	v28 =	vmul.f32 v37, v42  }
0x136: {  	v54 =	vmov s24  }
0x137: {  	s26 =	simm.s32 $0x0;
	v47 =	vld.idx.msk [tilespmem:v43+s16+$0x0], $0xffff;
	v29 =	vmul.f32 v44, v29;
	v28 =	vadd.f32 v28, v26;
	v26 =	vadd.s32 $0xA0, v45  }
0x138: {  	v55 =	vand.u32 $0x3FE, v54;
	v30 =	vld.idx.msk [tilespmem:v31+s16+$0x0], $0xffff;
	v31 =	vadd.s32 s26, v26  }
0x139: {  	s31 =	simm.s32 $0x1;
	v27 =	vld.idx.msk [tilespmem:v27+s13+$0x0], $0xffff;
	v28 =	vadd.f32 v29, v28;
	v29 =	vmov s26;
	v31 =	vadd.s32 v23, v31  }
0x13a: {  	v50 =	vmov s31;
	v34 =	vadd.s32 v24, v55;
	v29 =	vand.u32 $0x1FE, v29  }
0x13b: {  	s25 =	simm.s32 $0x3;
	v52 =	vand.u32 $0x1FF, v50;
	v49 =	vadd.s32 s31, v26;
	v29 =	vadd.s32 v24, v29  }
0x13c: {  	v48 =	vmul.f32 v47, v46;
	v56 =	vadd.s32 s25, v26;
	v51 =	vadd.s32 v23, v49  }
0x13d: {  	v33 =	vadd.s32 v24, v52;
	v53 =	vadd.s32 s24, v26;
	v35 =	vadd.s32 v23, v56  }
0x13e: {  	s26 =	simm.s32 $0x4;
	v28 =	vadd.f32 v48, v28;
	v27 =	vmul.f32 v30, v27;
	v57 =	vld.idx.msk [tilespmem:v31+s13+$0x0], $0xffff;
	v31 =	vmov s25  }
0x13f: {  	v32 =	vld.idx.msk [tilespmem:v34+s16+$0x0], $0xffff;
	v60 =	vmov s26;
	v30 =	vadd.s32 v23, v53;
	v31 =	vand.u32 $0x3FF, v31  }
0x140: {  	v27 =	vadd.f32 v27, v28;
	v28 =	vadd.s32 s26, v26;
	v58 =	vld.idx.msk [tilespmem:v29+s16+$0x0], $0xffff;
	v59 =	vadd.s32 v24, v31  }
0x141: {  	s31 =	simm.s32 $0x5;
	v29 =	vld.idx.msk [tilespmem:v51+s13+$0x0], $0xffff;
	v46 =	vadd.s32 v23, v28;
	v28 =	vand.u32 $0x3FE, v60  }
0x142: {  	v61 =	vmov s31;
	v62 =	vadd.s32 s31, v26;
	v31 =	vld.idx.msk [tilespmem:v33+s16+$0x0], $0xffff;
	v37 =	vadd.s32 v24, v28  }
0x143: {  	s30 =	simm.s32 $0x7;
	s29 =	simm.s32 $0x8;
	v38 =	vimm.f32 $0.0e+00;
	v36 =	vadd.s32 v23, v62;
	v33 =	vld.idx.msk [tilespmem:v35+s13+$0x0], $0xffff;
	v28 =	vand.u32 $0x3FF, v61  }
0x144: {  	s24 =	simm.s32 $0x6;
	v44 =	vadd.s32 s30, v26;
	v42 =	vadd.s32 s29, v26;
	v30 =	vld.idx.msk [tilespmem:v30+s13+$0x0], $0xffff;
	v41 =	vadd.s32 v24, v28  }
0x145: {  	v43 =	vmov s24;
	v63 =	vadd.s32 s24, v26;
	s25 =	simm.s32 $0xA;
	s26 =	simm.s32 $0x9;
	v45 =	vmul.f32 v58, v57;
	v39 =	vld.idx.msk [tilespmem:v59+s16+$0x0], $0xffff  }
0x146: {  	s28 =	simm.s32 $0xC;
	v40 =	vadd.s32 v23, v63;
	v34 =	vadd.s32 s26, v26;
	v28 =	vadd.s32 s25, v26;
	v35 =	vld.idx.msk [tilespmem:v46+s13+$0x0], $0xffff  }
.LBB2_19:
0x147: {  	p0 =	slt.u32 s28, $0x126;
	v43 =	vand.u32 $0x1FE, v43;
	v38 =	vadd.f32 v45, v38;
	v29 =	vmul.f32 v31, v29;
	v31 =	vld.idx.msk [tilespmem:v37+s16+$0x0], $0xffff  }
0x148: {  	v44 =	vadd.s32 v23, v44;
	v37 =	vadd.s32 v24, v43;
	v43 =	vmov s30;
	v36 =	vld.idx.msk [tilespmem:v36+s13+$0x0], $0xffff  }
0x149: {  	v30 =	vmul.f32 v32, v30;
	v43 =	vand.u32 $0x1FF, v43;
	v29 =	vadd.f32 v29, v38;
	v32 =	vld.idx.msk [tilespmem:v41+s16+$0x0], $0xffff  }
0x14a: {  	v42 =	vadd.s32 v23, v42;
	v41 =	vmov s29;
	v38 =	vadd.s32 v24, v43  }
0x14b: {  	v41 =	vand.u32 $0x3FE, v41;
	v29 =	vadd.f32 v30, v29;
	v30 =	vmul.f32 v39, v33  }
0x14c: {  	v34 =	vadd.s32 v23, v34;
	v33 =	vadd.s32 v24, v41;
	v39 =	vld.idx.msk [tilespmem:v40+s13+$0x0], $0xffff;
	v40 =	vmov s26  }
0x14d: {  	v35 =	vmul.f32 v31, v35;
	v45 =	vld.idx.msk [tilespmem:v37+s16+$0x0], $0xffff;
	v37 =	vand.u32 $0x3FF, v40;
	v30 =	vadd.f32 v30, v29  }
0x14e: {  	v46 =	vadd.s32 v23, v28;
	v29 =	vld.idx.msk [tilespmem:v44+s13+$0x0], $0xffff;
	v40 =	vadd.s32 v24, v37;
	v37 =	vmov s25  }
0x14f: {  	s0 =	sadd.s32 $0x5, s24;
	s24 =	smov.u32 s28;
	v31 =	vld.idx.msk [tilespmem:v38+s16+$0x0], $0xffff;
	v28 =	vand.u32 $0x3FE, v37;
	v35 =	vadd.f32 v35, v30;
	v38 =	vmul.f32 v32, v36  }
.Ltmp8:
0x150: {  	v36 =	vadd.s32 s0, v26;
	v30 =	vld.idx.msk [tilespmem:v42+s13+$0x0], $0xffff;
	v37 =	vadd.s32 v24, v28;
	v28 =	vmov s0;
	(pc) =	sbr.rel @p0 .LBB2_19-.Ltmp8, $4  }
0x151: {  	v36 =	vadd.s32 v23, v36;
	v32 =	vld.idx.msk [tilespmem:v33+s16+$0x0], $0xffff;
	v28 =	vand.u32 $0x3FF, v28;
	v38 =	vadd.f32 v38, v35  }
0x152: {  	v43 =	vmov s28;
	s26 =	sadd.s32 $0x3, s28;
	s25 =	sadd.s32 $0x4, s28;
	v35 =	vadd.s32 s28, v26;
	v33 =	vld.idx.msk [tilespmem:v34+s13+$0x0], $0xffff;
	v41 =	vadd.s32 v24, v28  }
0x153: {  	s30 =	sadd.s32 $0x1, s28;
	s29 =	sadd.s32 $0x2, s28;
	v34 =	vadd.s32 s26, v26;
	v28 =	vadd.s32 s25, v26;
	v45 =	vmul.f32 v45, v39;
	v39 =	vld.idx.msk [tilespmem:v40+s16+$0x0], $0xffff  }
0x154: {  	v44 =	vadd.s32 s30, v26;
	v42 =	vadd.s32 s29, v26;
	s28 =	sadd.s32 $0x6, s28;
	v40 =	vadd.s32 v23, v35;
	v35 =	vld.idx.msk [tilespmem:v46+s13+$0x0], $0xffff  }
0x155: {  	_ =	sdelay $0x1  }
0x156: {  	v43 =	vand.u32 $0x1FE, v43;
	v38 =	vadd.f32 v45, v38;
	v29 =	vmul.f32 v31, v29  }
0x157: {  	v62 =	vmov s30;
	v44 =	vadd.s32 v23, v44;
	v61 =	vadd.s32 v24, v43  }
0x158: {  	v60 =	vld.idx.msk [tilespmem:v37+s16+$0x0], $0xffff;
	v46 =	vmov s29;
	v42 =	vadd.s32 v23, v42;
	v43 =	vand.u32 $0x1FF, v62  }
0x159: {  	v36 =	vld.idx.msk [tilespmem:v36+s13+$0x0], $0xffff;
	v30 =	vmul.f32 v32, v30;
	v29 =	vadd.f32 v29, v38;
	v45 =	vadd.s32 v24, v43  }
0x15a: {  	v63 =	vld.idx.msk [tilespmem:v41+s16+$0x0], $0xffff;
	v50 =	vmov s26;
	v34 =	vadd.s32 v23, v34;
	v41 =	vand.u32 $0x3FE, v46  }
0x15b: {  	v48 =	vld.idx.msk [tilespmem:v40+s13+$0x0], $0xffff;
	v49 =	vadd.s32 v24, v41;
	v47 =	vmul.f32 v39, v33;
	v29 =	vadd.f32 v30, v29  }
0x15c: {  	v54 =	vmov s25;
	v28 =	vadd.s32 v23, v28;
	v40 =	vand.u32 $0x3FF, v50;
	v37 =	vld.idx.msk [tilespmem:v61+s16+$0x0], $0xffff  }
0x15d: {  	s0 =	sadd.s32 $0x5, s24;
	v53 =	vadd.s32 v24, v40;
	v51 =	vmul.f32 v60, v35;
	v52 =	vld.idx.msk [tilespmem:v44+s13+$0x0], $0xffff;
	v29 =	vadd.f32 v47, v29  }
0x15e: {  	v58 =	vmov s0;
	v26 =	vadd.s32 s0, v26;
	v40 =	vand.u32 $0x3FE, v54;
	v38 =	vld.idx.msk [tilespmem:v45+s16+$0x0], $0xffff  }
0x15f: {  	v57 =	vadd.s32 v24, v40;
	v55 =	vmul.f32 v63, v36;
	v56 =	vld.idx.msk [tilespmem:v42+s13+$0x0], $0xffff;
	v29 =	vadd.f32 v51, v29  }
0x160: {  	v26 =	vadd.s32 v23, v26;
	v40 =	vand.u32 $0x3FF, v58;
	v39 =	vld.idx.msk [tilespmem:v49+s16+$0x0], $0xffff  }
0x161: {  	v59 =	vld.idx.msk [tilespmem:v34+s13+$0x0], $0xffff;
	v60 =	vadd.s32 v24, v40;
	v29 =	vadd.f32 v55, v29;
	v33 =	vmul.f32 v37, v48  }
0x162: {  	v35 =	vld.idx.msk [tilespmem:v53+s16+$0x0], $0xffff  }
0x163: {  	v28 =	vld.idx.msk [tilespmem:v28+s13+$0x0], $0xffff;
	v31 =	vmul.f32 v38, v52;
	v29 =	vadd.f32 v33, v29  }
0x164: {  	v61 =	vld.idx.msk [tilespmem:v57+s16+$0x0], $0xffff  }
0x165: {  	v26 =	vld.idx.msk [tilespmem:v26+s13+$0x0], $0xffff;
	v62 =	vmul.f32 v39, v56;
	v29 =	vadd.f32 v31, v29  }
0x166: {  	v63 =	vld.idx.msk [tilespmem:v60+s16+$0x0], $0xffff  }
0x167: {  	v30 =	vmul.f32 v35, v59;
	v29 =	vadd.f32 v62, v29;
	_ =	sdelay $0x1  }
0x168: {  	s23 =	sadd.s32 $0x1, s23;
	v28 =	vmul.f32 v61, v28;
	v29 =	vadd.f32 v30, v29  }
0x169: {  	p0 =	sne.s32 s23, $0x8  }
.Ltmp9:
0x16a: {  	v26 =	vmul.f32 v63, v26;
	v28 =	vadd.f32 v28, v29;
	(pc) =	sbr.rel @p0 .LBB2_6-.Ltmp9, $3  }
0x16b: {  	_ = 	snop  }
0x16c: {  	v25 =	vadd.f32 v27, v25;
	v26 =	vadd.f32 v26, v28;
	_ =	sdelay $0x1  }
0x16d: {  	v25 =	vadd.f32 v26, v25  }
0x16e: {  	s22 =	sadd.s32 $0x1, s22  }
0x16f: {  	p0 =	sne.s32 s22, s11  }
.Ltmp10:
0x170: {  	[tilespmem:$0xE840] =	vst v25;
	(pc) =	sbr.rel @p0 .LBB2_1-.Ltmp10, $4  }
0x171: {  	[hbm4b:s10+s2] =	stream.linear.scatter [tilespmem:s20], [sflag:$0x3], $0x10, $0x38;
	[tilespmem:$0xE850] =	vst v63  }
0x172: {  	_ =	swait.ge [sflag:s21], $0x10  }
0x173: {  	[sflag:s21] =	ssyncset.done $0x0  }
0x174: {  	[sflag:s21] =	ssyncadd.s32 $0xFFFFFFF0  }
0x175: {  	_ =	sfence.sel $0x180000  }
0x176: {  	[bflag:$0x0] =	sbarrier.arrive $0xFFFF  }
0x177: {  	_ =	strace $0x90000047  }
0x178: {  	[bflag:$0x2] =	sbarrier.arrive $0xFFFF  }
0x179: {  	p0 =	sne.s32 s3, $0x0;
	s0 =	rddreg [dreg:$0x1]  }
0x17a: {  	s0 =	sadd.s32 @!p0 $0x100000, s0  }
0x17b: {  	[sflag:s0] =	ssyncadd.tile.s32 @!p0 $0x1;
	_ =	shalt  }
.Lfunc_end2:
_tile_overlayer_lowered:
.L_overlay_start_2:
0x17c: {  	(tag) =	ssettag $0x2  }
0x17d: {  	s0 =	rddreg [dreg:$0x0];
	s2 =	stileid.u32  }
0x17e: {  	s1 =	rddreg [dreg:$0x1];
	p0 =	sne.s32 s2, $0x0  }
0x17f: {  	s3 =	rddreg [dreg:$0x2];
	[bflag:$0x3] =	sbarrier.arrive $0xFFFF;
	s2 =	simm.s32 @!p0 $0x1C03  }
0x180: {  	[timem:s3], [sflag:s2] =	dma.local @!p0 [hbm:s0], s1  }
0x181: {  	s0 =	simm.s32 @!p0 $0x3  }
0x182: {  	_ =	swait.ge @!p0 [sflag:s0], s1  }
0x183: {  	s1 =	ssub.s32 @!p0 $0x0, s1;
	[sflag:s0] =	ssyncset.done @!p0 $0x0  }
0x184: {  	[sflag:s0] =	ssyncadd.s32 @!p0 s1  }
0x185: {  	[bflag:$0x3] =	sbarrier.arrive $0xFFFF  }
0x186: {  	_ =	shalt  }

</sc_bundles>
